<compile_context>
chip_gen: v7x
topology: tpu7x:2x2x1
jax: 0.10.2.dev20260603
libtpu: 0.0.44.dev20260713+nightly
codegen_flags: <defaults>
</compile_context>

<pallas_src>
import functools

import jax
import jax.numpy as jnp
from jax import lax
from jax.experimental import pallas as pl
from jax.experimental.pallas import tpu as pltpu
from jax.experimental.pallas import tpu_sc as plsc

N_STATES = 1000000
D = 64
B = 16384
NC = 2
NS = 16
NW = NC * NS
B_PER_W = B // NW
CHUNK = 128
N_CHUNK = B_PER_W // CHUNK
L = 16


def _gather_body(idx_hbm, tbl_hbm, out_hbm, idx_v, rows_v, sem):
    wid = lax.axis_index("s") * NC + lax.axis_index("c")
    base = wid * B_PER_W

    pltpu.sync_copy(idx_hbm.at[wid], idx_v)

    for j in range(N_CHUNK):
        def _fire(t8, _, j=j):
            iv = idx_v[j, pl.ds(t8 * L, L)]
            k0 = j * CHUNK + t8 * L
            for u in range(L):
                pltpu.make_async_copy(
                    tbl_hbm.at[pl.ds(iv[u], 1), :],
                    rows_v.at[pl.ds(k0 + u, 1), :],
                    sem,
                ).start()
            return 0
        lax.fori_loop(0, CHUNK // L, _fire, 0)

    pltpu.make_async_copy(tbl_hbm.at[pl.ds(0, B_PER_W), :], rows_v, sem).wait()

    pltpu.sync_copy(rows_v, out_hbm.at[pl.ds(base, B_PER_W)])


@jax.jit
def _lookup(idx3, table):
    mesh = plsc.VectorSubcoreMesh(core_axis_name="c", subcore_axis_name="s")
    k = functools.partial(
        pl.kernel,
        mesh=mesh,
        out_type=jax.ShapeDtypeStruct((B, D), jnp.float32),
        scratch_types=[
            pltpu.VMEM((N_CHUNK, CHUNK), jnp.int32),
            pltpu.VMEM((B_PER_W, D), jnp.float32),
            pltpu.SemaphoreType.DMA,
        ],
        compiler_params=pltpu.CompilerParams(
            use_tc_tiling_on_sc=True, needs_layout_passes=False
        ),
    )(_gather_body)
    return k(idx3, table)


def kernel(preprocessed_states, table):
    idx3 = preprocessed_states.reshape(NW, N_CHUNK, CHUNK)
    return _lookup(idx3, table)

# --- scband reference (transcript-rebuilt; emitter-appended) ---
"""Pipeline reference for scband-tabular-77472620085262 (READ-ONLY COPY).

The authoritative reference and input builder live on the scoring server;
editing this copy changes nothing except your own understanding.
"""

import jax, jax.numpy as jnp
import numpy as np

N_STATES = 1000000
OUTPUT_DIM = 64
BATCH = 16384

def setup_inputs(seed: int = 0) -> dict:
    key = jax.random.key(seed)
    k1, k2 = jax.random.split(key)
    preprocessed_states = jax.random.randint(k1, (BATCH, 1), 0, N_STATES, dtype=jnp.int64 if jax.config.read('jax_enable_x64') else jnp.int32).astype(jnp.int32)
    # Original module initializes the table to zeros; use small random values so
    # the lookup output is non-degenerate (math is identical: a plain gather).
    table = jax.random.normal(k2, (N_STATES, OUTPUT_DIM), dtype=jnp.float32) * 0.02
    return {"preprocessed_states": preprocessed_states, "table": table}

def reference(preprocessed_states, table):
    # outputs = self.table[preprocessed_states.squeeze(-1)]
    idx = jnp.squeeze(preprocessed_states, axis=-1)
    outputs = jnp.take(table, idx, axis=0)
    return outputs

if __name__ == "__main__":
    import jax
    _d = setup_inputs()
    print(jax.jit(kernel)(*tuple(_d.values())))

</pallas_src>

<mosaic_0001>
#map = affine_map<(d0, d1) -> (0, 0, 0)>
#map1 = affine_map<(d0, d1) -> (0, 0)>
module attributes {stable_mosaic.version = 14 : i64} {
  func.func @_gather_body(%arg0: i32, %arg1: i32, %arg2: memref<32x4x128xi32, #tpu.memory_space<hbm>>, %arg3: memref<1000000x64xf32, #tpu.memory_space<hbm>>, %arg4: memref<16384x64xf32, #tpu.memory_space<hbm>>, %arg5: memref<4x128xi32, #tpu.memory_space<vmem>>, %arg6: memref<512x64xf32, #tpu.memory_space<vmem>>, %arg7: memref<!tpu.dma_semaphore, #tpu.memory_space<semaphore_mem>>) attributes {dimension_semantics = [#tpu.dimension_semantics<core_parallel>, #tpu.dimension_semantics<subcore_parallel>], iteration_bounds = array<i64: 2, 16>, scalar_prefetch = 0 : i64, scratch_operands = 3 : i64, tpu.core_type = #tpu.core_type<sc_vector_subcore>, window_params = [{transform_indices = #map}, {transform_indices = #map1}, {transform_indices = #map1}]} {
    %mul3A = arith.constant 2 : i32
    %mul3A_0 = arith.muli %arg1, %mul3A : i32
    %add3A = arith.addi %mul3A_0, %arg0 : i32
    %mul3A_1 = arith.constant 512 : i32
    %mul3A_2 = arith.muli %add3A, %mul3A_1 : i32
    "tpu.region"() ({
      %run_scoped3A = tpu.sem_alloc : memref<!tpu.dma_semaphore, #tpu.memory_space<semaphore_mem>>
      %dma_start3A = arith.constant 0 : i32
      %dma_start3A_35 = arith.constant 0 : i32
      %dma_start3A_36 = tpu.memref_slice %arg2[%add3A, %dma_start3A, %dma_start3A_35] : memref<32x4x128xi32, #tpu.memory_space<hbm>> -> memref<1x4x128xi32, #tpu.memory_space<hbm>>
      %dma_start3A_37 = tpu.memref_squeeze %dma_start3A_36 : memref<1x4x128xi32, #tpu.memory_space<hbm>> -> memref<4x128xi32, #tpu.memory_space<hbm>>
      %dma_start3A_38 = arith.constant 0 : i32
      %dma_start3A_39 = arith.constant 0 : i32
      %dma_start3A_40 = tpu.memref_slice %arg2[%add3A, %dma_start3A_38, %dma_start3A_39] : memref<32x4x128xi32, #tpu.memory_space<hbm>> -> memref<1x4x128xi32, #tpu.memory_space<hbm>>
      %dma_start3A_41 = tpu.memref_squeeze %dma_start3A_40 : memref<1x4x128xi32, #tpu.memory_space<hbm>> -> memref<4x128xi32, #tpu.memory_space<hbm>>
      tpu.enqueue_dma source(%dma_start3A_41 : memref<4x128xi32, #tpu.memory_space<hbm>>) target(%arg5 : memref<4x128xi32, #tpu.memory_space<vmem>>) target_semaphore(%run_scoped3A : memref<!tpu.dma_semaphore, #tpu.memory_space<semaphore_mem>>)
      %dma_wait3A_42 = arith.constant 0 : i32
      %dma_wait3A_43 = arith.constant 0 : i32
      %dma_wait3A_44 = tpu.memref_slice %arg2[%add3A, %dma_wait3A_42, %dma_wait3A_43] : memref<32x4x128xi32, #tpu.memory_space<hbm>> -> memref<1x4x128xi32, #tpu.memory_space<hbm>>
      %dma_wait3A_45 = tpu.memref_squeeze %dma_wait3A_44 : memref<1x4x128xi32, #tpu.memory_space<hbm>> -> memref<4x128xi32, #tpu.memory_space<hbm>>
      %dma_wait3A_46 = arith.constant 0 : i32
      %dma_wait3A_47 = arith.constant 0 : i32
      %dma_wait3A_48 = tpu.memref_slice %arg2[%add3A, %dma_wait3A_46, %dma_wait3A_47] : memref<32x4x128xi32, #tpu.memory_space<hbm>> -> memref<1x4x128xi32, #tpu.memory_space<hbm>>
      %dma_wait3A_49 = tpu.memref_squeeze %dma_wait3A_48 : memref<1x4x128xi32, #tpu.memory_space<hbm>> -> memref<4x128xi32, #tpu.memory_space<hbm>>
      tpu.wait_dma2 semaphore(%run_scoped3A : memref<!tpu.dma_semaphore, #tpu.memory_space<semaphore_mem>>) src(%dma_wait3A_49 : memref<4x128xi32, #tpu.memory_space<hbm>>) dst(%arg5 : memref<4x128xi32, #tpu.memory_space<vmem>>)
      tpu.yield
    }) : () -> ()
    %scan3A = arith.constant 0 : i32
    %scan3A_3 = arith.constant 0 : i32
    %scan3A_4 = arith.constant 8 : i32
    %scan3A_5 = arith.addi %scan3A_3, %scan3A_4 : i32
    %scan3A_6 = arith.constant 1 : i32
    %scan3A_7 = scf.for %scan3A_35 = %scan3A_3 to %scan3A_5 step %scan3A_6 iter_args(%scan3A_36 = %scan3A) -> (i32)  : i32 {
      %mul3A_37 = arith.constant 16 : i32
      %mul3A_38 = arith.muli %scan3A_35, %mul3A_37 : i32
      %get3A = arith.constant 0 : i32
      %get3A_39 = arith.index_cast %get3A : i32 to index
      %get3A_40 = arith.index_cast %mul3A_38 : i32 to index
      %get3A_41 = tpu.vector_load %arg5[%get3A_39, %get3A_40] {strides = array<i32>} : memref<4x128xi32, #tpu.memory_space<vmem>>, vector<16xi32>,
      %mul3A_42 = arith.constant 16 : i32
      %mul3A_43 = arith.muli %scan3A_35, %mul3A_42 : i32
      %add3A_44 = arith.constant 0 : i32
      %add3A_45 = arith.addi %add3A_44, %mul3A_43 : i32
      %slice3A = vector.extract_strided_slice %get3A_41 {offsets = [0], sizes = [1], strides = [1]} : vector<16xi32> to vector<1xi32>
      %squeeze3A = vector.extract %slice3A[0] : i32 from vector<1xi32>
      %add3A_46 = arith.constant 0 : i32
      %add3A_47 = arith.addi %add3A_45, %add3A_46 : i32
      %dma_start3A = arith.constant 0 : i32
      %dma_start3A_48 = tpu.memref_slice %arg6[%add3A_47, %dma_start3A] : memref<512x64xf32, #tpu.memory_space<vmem>> -> memref<1x64xf32, #tpu.memory_space<vmem>>
      %dma_start3A_49 = arith.constant 0 : i32
      %dma_start3A_50 = tpu.memref_slice %arg3[%squeeze3A, %dma_start3A_49] : memref<1000000x64xf32, #tpu.memory_space<hbm>> -> memref<1x64xf32, #tpu.memory_space<hbm>>
      %dma_start3A_51 = arith.constant 0 : i32
      %dma_start3A_52 = tpu.memref_slice %arg6[%add3A_47, %dma_start3A_51] : memref<512x64xf32, #tpu.memory_space<vmem>> -> memref<1x64xf32, #tpu.memory_space<vmem>>
      %dma_start3A_53 = arith.constant 0 : i32
      %dma_start3A_54 = tpu.memref_slice %arg3[%squeeze3A, %dma_start3A_53] : memref<1000000x64xf32, #tpu.memory_space<hbm>> -> memref<1x64xf32, #tpu.memory_space<hbm>>
      tpu.enqueue_dma source(%dma_start3A_54 : memref<1x64xf32, #tpu.memory_space<hbm>>) target(%dma_start3A_52 : memref<1x64xf32, #tpu.memory_space<vmem>>) target_semaphore(%arg7 : memref<!tpu.dma_semaphore, #tpu.memory_space<semaphore_mem>>)
      %slice3A_55 = vector.extract_strided_slice %get3A_41 {offsets = [1], sizes = [1], strides = [1]} : vector<16xi32> to vector<1xi32>
      %squeeze3A_56 = vector.extract %slice3A_55[0] : i32 from vector<1xi32>
      %add3A_57 = arith.constant 1 : i32
      %add3A_58 = arith.addi %add3A_45, %add3A_57 : i32
      %dma_start3A_59 = arith.constant 0 : i32
      %dma_start3A_60 = tpu.memref_slice %arg6[%add3A_58, %dma_start3A_59] : memref<512x64xf32, #tpu.memory_space<vmem>> -> memref<1x64xf32, #tpu.memory_space<vmem>>
      %dma_start3A_61 = arith.constant 0 : i32
      %dma_start3A_62 = tpu.memref_slice %arg3[%squeeze3A_56, %dma_start3A_61] : memref<1000000x64xf32, #tpu.memory_space<hbm>> -> memref<1x64xf32, #tpu.memory_space<hbm>>
      %dma_start3A_63 = arith.constant 0 : i32
      %dma_start3A_64 = tpu.memref_slice %arg6[%add3A_58, %dma_start3A_63] : memref<512x64xf32, #tpu.memory_space<vmem>> -> memref<1x64xf32, #tpu.memory_space<vmem>>
      %dma_start3A_65 = arith.constant 0 : i32
      %dma_start3A_66 = tpu.memref_slice %arg3[%squeeze3A_56, %dma_start3A_65] : memref<1000000x64xf32, #tpu.memory_space<hbm>> -> memref<1x64xf32, #tpu.memory_space<hbm>>
      tpu.enqueue_dma source(%dma_start3A_66 : memref<1x64xf32, #tpu.memory_space<hbm>>) target(%dma_start3A_64 : memref<1x64xf32, #tpu.memory_space<vmem>>) target_semaphore(%arg7 : memref<!tpu.dma_semaphore, #tpu.memory_space<semaphore_mem>>)
      %slice3A_67 = vector.extract_strided_slice %get3A_41 {offsets = [2], sizes = [1], strides = [1]} : vector<16xi32> to vector<1xi32>
      %squeeze3A_68 = vector.extract %slice3A_67[0] : i32 from vector<1xi32>
      %add3A_69 = arith.constant 2 : i32
      %add3A_70 = arith.addi %add3A_45, %add3A_69 : i32
      %dma_start3A_71 = arith.constant 0 : i32
      %dma_start3A_72 = tpu.memref_slice %arg6[%add3A_70, %dma_start3A_71] : memref<512x64xf32, #tpu.memory_space<vmem>> -> memref<1x64xf32, #tpu.memory_space<vmem>>
      %dma_start3A_73 = arith.constant 0 : i32
      %dma_start3A_74 = tpu.memref_slice %arg3[%squeeze3A_68, %dma_start3A_73] : memref<1000000x64xf32, #tpu.memory_space<hbm>> -> memref<1x64xf32, #tpu.memory_space<hbm>>
      %dma_start3A_75 = arith.constant 0 : i32
      %dma_start3A_76 = tpu.memref_slice %arg6[%add3A_70, %dma_start3A_75] : memref<512x64xf32, #tpu.memory_space<vmem>> -> memref<1x64xf32, #tpu.memory_space<vmem>>
      %dma_start3A_77 = arith.constant 0 : i32
      %dma_start3A_78 = tpu.memref_slice %arg3[%squeeze3A_68, %dma_start3A_77] : memref<1000000x64xf32, #tpu.memory_space<hbm>> -> memref<1x64xf32, #tpu.memory_space<hbm>>
      tpu.enqueue_dma source(%dma_start3A_78 : memref<1x64xf32, #tpu.memory_space<hbm>>) target(%dma_start3A_76 : memref<1x64xf32, #tpu.memory_space<vmem>>) target_semaphore(%arg7 : memref<!tpu.dma_semaphore, #tpu.memory_space<semaphore_mem>>)
      %slice3A_79 = vector.extract_strided_slice %get3A_41 {offsets = [3], sizes = [1], strides = [1]} : vector<16xi32> to vector<1xi32>
      %squeeze3A_80 = vector.extract %slice3A_79[0] : i32 from vector<1xi32>
      %add3A_81 = arith.constant 3 : i32
      %add3A_82 = arith.addi %add3A_45, %add3A_81 : i32
      %dma_start3A_83 = arith.constant 0 : i32
      %dma_start3A_84 = tpu.memref_slice %arg6[%add3A_82, %dma_start3A_83] : memref<512x64xf32, #tpu.memory_space<vmem>> -> memref<1x64xf32, #tpu.memory_space<vmem>>
      %dma_start3A_85 = arith.constant 0 : i32
      %dma_start3A_86 = tpu.memref_slice %arg3[%squeeze3A_80, %dma_start3A_85] : memref<1000000x64xf32, #tpu.memory_space<hbm>> -> memref<1x64xf32, #tpu.memory_space<hbm>>
      %dma_start3A_87 = arith.constant 0 : i32
      %dma_start3A_88 = tpu.memref_slice %arg6[%add3A_82, %dma_start3A_87] : memref<512x64xf32, #tpu.memory_space<vmem>> -> memref<1x64xf32, #tpu.memory_space<vmem>>
      %dma_start3A_89 = arith.constant 0 : i32
      %dma_start3A_90 = tpu.memref_slice %arg3[%squeeze3A_80, %dma_start3A_89] : memref<1000000x64xf32, #tpu.memory_space<hbm>> -> memref<1x64xf32, #tpu.memory_space<hbm>>
      tpu.enqueue_dma source(%dma_start3A_90 : memref<1x64xf32, #tpu.memory_space<hbm>>) target(%dma_start3A_88 : memref<1x64xf32, #tpu.memory_space<vmem>>) target_semaphore(%arg7 : memref<!tpu.dma_semaphore, #tpu.memory_space<semaphore_mem>>)
      %slice3A_91 = vector.extract_strided_slice %get3A_41 {offsets = [4], sizes = [1], strides = [1]} : vector<16xi32> to vector<1xi32>
      %squeeze3A_92 = vector.extract %slice3A_91[0] : i32 from vector<1xi32>
      %add3A_93 = arith.constant 4 : i32
      %add3A_94 = arith.addi %add3A_45, %add3A_93 : i32
      %dma_start3A_95 = arith.constant 0 : i32
      %dma_start3A_96 = tpu.memref_slice %arg6[%add3A_94, %dma_start3A_95] : memref<512x64xf32, #tpu.memory_space<vmem>> -> memref<1x64xf32, #tpu.memory_space<vmem>>
      %dma_start3A_97 = arith.constant 0 : i32
      %dma_start3A_98 = tpu.memref_slice %arg3[%squeeze3A_92, %dma_start3A_97] : memref<1000000x64xf32, #tpu.memory_space<hbm>> -> memref<1x64xf32, #tpu.memory_space<hbm>>
      %dma_start3A_99 = arith.constant 0 : i32
      %dma_start3A_100 = tpu.memref_slice %arg6[%add3A_94, %dma_start3A_99] : memref<512x64xf32, #tpu.memory_space<vmem>> -> memref<1x64xf32, #tpu.memory_space<vmem>>
      %dma_start3A_101 = arith.constant 0 : i32
      %dma_start3A_102 = tpu.memref_slice %arg3[%squeeze3A_92, %dma_start3A_101] : memref<1000000x64xf32, #tpu.memory_space<hbm>> -> memref<1x64xf32, #tpu.memory_space<hbm>>
      tpu.enqueue_dma source(%dma_start3A_102 : memref<1x64xf32, #tpu.memory_space<hbm>>) target(%dma_start3A_100 : memref<1x64xf32, #tpu.memory_space<vmem>>) target_semaphore(%arg7 : memref<!tpu.dma_semaphore, #tpu.memory_space<semaphore_mem>>)
      %slice3A_103 = vector.extract_strided_slice %get3A_41 {offsets = [5], sizes = [1], strides = [1]} : vector<16xi32> to vector<1xi32>
      %squeeze3A_104 = vector.extract %slice3A_103[0] : i32 from vector<1xi32>
      %add3A_105 = arith.constant 5 : i32
      %add3A_106 = arith.addi %add3A_45, %add3A_105 : i32
      %dma_start3A_107 = arith.constant 0 : i32
      %dma_start3A_108 = tpu.memref_slice %arg6[%add3A_106, %dma_start3A_107] : memref<512x64xf32, #tpu.memory_space<vmem>> -> memref<1x64xf32, #tpu.memory_space<vmem>>
      %dma_start3A_109 = arith.constant 0 : i32
      %dma_start3A_110 = tpu.memref_slice %arg3[%squeeze3A_104, %dma_start3A_109] : memref<1000000x64xf32, #tpu.memory_space<hbm>> -> memref<1x64xf32, #tpu.memory_space<hbm>>
      %dma_start3A_111 = arith.constant 0 : i32
      %dma_start3A_112 = tpu.memref_slice %arg6[%add3A_106, %dma_start3A_111] : memref<512x64xf32, #tpu.memory_space<vmem>> -> memref<1x64xf32, #tpu.memory_space<vmem>>
      %dma_start3A_113 = arith.constant 0 : i32
      %dma_start3A_114 = tpu.memref_slice %arg3[%squeeze3A_104, %dma_start3A_113] : memref<1000000x64xf32, #tpu.memory_space<hbm>> -> memref<1x64xf32, #tpu.memory_space<hbm>>
      tpu.enqueue_dma source(%dma_start3A_114 : memref<1x64xf32, #tpu.memory_space<hbm>>) target(%dma_start3A_112 : memref<1x64xf32, #tpu.memory_space<vmem>>) target_semaphore(%arg7 : memref<!tpu.dma_semaphore, #tpu.memory_space<semaphore_mem>>)
      %slice3A_115 = vector.extract_strided_slice %get3A_41 {offsets = [6], sizes = [1], strides = [1]} : vector<16xi32> to vector<1xi32>
      %squeeze3A_116 = vector.extract %slice3A_115[0] : i32 from vector<1xi32>
      %add3A_117 = arith.constant 6 : i32
      %add3A_118 = arith.addi %add3A_45, %add3A_117 : i32
      %dma_start3A_119 = arith.constant 0 : i32
      %dma_start3A_120 = tpu.memref_slice %arg6[%add3A_118, %dma_start3A_119] : memref<512x64xf32, #tpu.memory_space<vmem>> -> memref<1x64xf32, #tpu.memory_space<vmem>>
      %dma_start3A_121 = arith.constant 0 : i32
      %dma_start3A_122 = tpu.memref_slice %arg3[%squeeze3A_116, %dma_start3A_121] : memref<1000000x64xf32, #tpu.memory_space<hbm>> -> memref<1x64xf32, #tpu.memory_space<hbm>>
      %dma_start3A_123 = arith.constant 0 : i32
      %dma_start3A_124 = tpu.memref_slice %arg6[%add3A_118, %dma_start3A_123] : memref<512x64xf32, #tpu.memory_space<vmem>> -> memref<1x64xf32, #tpu.memory_space<vmem>>
      %dma_start3A_125 = arith.constant 0 : i32
      %dma_start3A_126 = tpu.memref_slice %arg3[%squeeze3A_116, %dma_start3A_125] : memref<1000000x64xf32, #tpu.memory_space<hbm>> -> memref<1x64xf32, #tpu.memory_space<hbm>>
      tpu.enqueue_dma source(%dma_start3A_126 : memref<1x64xf32, #tpu.memory_space<hbm>>) target(%dma_start3A_124 : memref<1x64xf32, #tpu.memory_space<vmem>>) target_semaphore(%arg7 : memref<!tpu.dma_semaphore, #tpu.memory_space<semaphore_mem>>)
      %slice3A_127 = vector.extract_strided_slice %get3A_41 {offsets = [7], sizes = [1], strides = [1]} : vector<16xi32> to vector<1xi32>
      %squeeze3A_128 = vector.extract %slice3A_127[0] : i32 from vector<1xi32>
      %add3A_129 = arith.constant 7 : i32
      %add3A_130 = arith.addi %add3A_45, %add3A_129 : i32
      %dma_start3A_131 = arith.constant 0 : i32
      %dma_start3A_132 = tpu.memref_slice %arg6[%add3A_130, %dma_start3A_131] : memref<512x64xf32, #tpu.memory_space<vmem>> -> memref<1x64xf32, #tpu.memory_space<vmem>>
      %dma_start3A_133 = arith.constant 0 : i32
      %dma_start3A_134 = tpu.memref_slice %arg3[%squeeze3A_128, %dma_start3A_133] : memref<1000000x64xf32, #tpu.memory_space<hbm>> -> memref<1x64xf32, #tpu.memory_space<hbm>>
      %dma_start3A_135 = arith.constant 0 : i32
      %dma_start3A_136 = tpu.memref_slice %arg6[%add3A_130, %dma_start3A_135] : memref<512x64xf32, #tpu.memory_space<vmem>> -> memref<1x64xf32, #tpu.memory_space<vmem>>
      %dma_start3A_137 = arith.constant 0 : i32
      %dma_start3A_138 = tpu.memref_slice %arg3[%squeeze3A_128, %dma_start3A_137] : memref<1000000x64xf32, #tpu.memory_space<hbm>> -> memref<1x64xf32, #tpu.memory_space<hbm>>
      tpu.enqueue_dma source(%dma_start3A_138 : memref<1x64xf32, #tpu.memory_space<hbm>>) target(%dma_start3A_136 : memref<1x64xf32, #tpu.memory_space<vmem>>) target_semaphore(%arg7 : memref<!tpu.dma_semaphore, #tpu.memory_space<semaphore_mem>>)
      %slice3A_139 = vector.extract_strided_slice %get3A_41 {offsets = [8], sizes = [1], strides = [1]} : vector<16xi32> to vector<1xi32>
      %squeeze3A_140 = vector.extract %slice3A_139[0] : i32 from vector<1xi32>
      %add3A_141 = arith.constant 8 : i32
      %add3A_142 = arith.addi %add3A_45, %add3A_141 : i32
      %dma_start3A_143 = arith.constant 0 : i32
      %dma_start3A_144 = tpu.memref_slice %arg6[%add3A_142, %dma_start3A_143] : memref<512x64xf32, #tpu.memory_space<vmem>> -> memref<1x64xf32, #tpu.memory_space<vmem>>
      %dma_start3A_145 = arith.constant 0 : i32
      %dma_start3A_146 = tpu.memref_slice %arg3[%squeeze3A_140, %dma_start3A_145] : memref<1000000x64xf32, #tpu.memory_space<hbm>> -> memref<1x64xf32, #tpu.memory_space<hbm>>
      %dma_start3A_147 = arith.constant 0 : i32
      %dma_start3A_148 = tpu.memref_slice %arg6[%add3A_142, %dma_start3A_147] : memref<512x64xf32, #tpu.memory_space<vmem>> -> memref<1x64xf32, #tpu.memory_space<vmem>>
      %dma_start3A_149 = arith.constant 0 : i32
      %dma_start3A_150 = tpu.memref_slice %arg3[%squeeze3A_140, %dma_start3A_149] : memref<1000000x64xf32, #tpu.memory_space<hbm>> -> memref<1x64xf32, #tpu.memory_space<hbm>>
      tpu.enqueue_dma source(%dma_start3A_150 : memref<1x64xf32, #tpu.memory_space<hbm>>) target(%dma_start3A_148 : memref<1x64xf32, #tpu.memory_space<vmem>>) target_semaphore(%arg7 : memref<!tpu.dma_semaphore, #tpu.memory_space<semaphore_mem>>)
      %slice3A_151 = vector.extract_strided_slice %get3A_41 {offsets = [9], sizes = [1], strides = [1]} : vector<16xi32> to vector<1xi32>
      %squeeze3A_152 = vector.extract %slice3A_151[0] : i32 from vector<1xi32>
      %add3A_153 = arith.constant 9 : i32
      %add3A_154 = arith.addi %add3A_45, %add3A_153 : i32
      %dma_start3A_155 = arith.constant 0 : i32
      %dma_start3A_156 = tpu.memref_slice %arg6[%add3A_154, %dma_start3A_155] : memref<512x64xf32, #tpu.memory_space<vmem>> -> memref<1x64xf32, #tpu.memory_space<vmem>>
      %dma_start3A_157 = arith.constant 0 : i32
      %dma_start3A_158 = tpu.memref_slice %arg3[%squeeze3A_152, %dma_start3A_157] : memref<1000000x64xf32, #tpu.memory_space<hbm>> -> memref<1x64xf32, #tpu.memory_space<hbm>>
      %dma_start3A_159 = arith.constant 0 : i32
      %dma_start3A_160 = tpu.memref_slice %arg6[%add3A_154, %dma_start3A_159] : memref<512x64xf32, #tpu.memory_space<vmem>> -> memref<1x64xf32, #tpu.memory_space<vmem>>
      %dma_start3A_161 = arith.constant 0 : i32
      %dma_start3A_162 = tpu.memref_slice %arg3[%squeeze3A_152, %dma_start3A_161] : memref<1000000x64xf32, #tpu.memory_space<hbm>> -> memref<1x64xf32, #tpu.memory_space<hbm>>
      tpu.enqueue_dma source(%dma_start3A_162 : memref<1x64xf32, #tpu.memory_space<hbm>>) target(%dma_start3A_160 : memref<1x64xf32, #tpu.memory_space<vmem>>) target_semaphore(%arg7 : memref<!tpu.dma_semaphore, #tpu.memory_space<semaphore_mem>>)
      %slice3A_163 = vector.extract_strided_slice %get3A_41 {offsets = [10], sizes = [1], strides = [1]} : vector<16xi32> to vector<1xi32>
      %squeeze3A_164 = vector.extract %slice3A_163[0] : i32 from vector<1xi32>
      %add3A_165 = arith.constant 10 : i32
      %add3A_166 = arith.addi %add3A_45, %add3A_165 : i32
      %dma_start3A_167 = arith.constant 0 : i32
      %dma_start3A_168 = tpu.memref_slice %arg6[%add3A_166, %dma_start3A_167] : memref<512x64xf32, #tpu.memory_space<vmem>> -> memref<1x64xf32, #tpu.memory_space<vmem>>
      %dma_start3A_169 = arith.constant 0 : i32
      %dma_start3A_170 = tpu.memref_slice %arg3[%squeeze3A_164, %dma_start3A_169] : memref<1000000x64xf32, #tpu.memory_space<hbm>> -> memref<1x64xf32, #tpu.memory_space<hbm>>
      %dma_start3A_171 = arith.constant 0 : i32
      %dma_start3A_172 = tpu.memref_slice %arg6[%add3A_166, %dma_start3A_171] : memref<512x64xf32, #tpu.memory_space<vmem>> -> memref<1x64xf32, #tpu.memory_space<vmem>>
      %dma_start3A_173 = arith.constant 0 : i32
      %dma_start3A_174 = tpu.memref_slice %arg3[%squeeze3A_164, %dma_start3A_173] : memref<1000000x64xf32, #tpu.memory_space<hbm>> -> memref<1x64xf32, #tpu.memory_space<hbm>>
      tpu.enqueue_dma source(%dma_start3A_174 : memref<1x64xf32, #tpu.memory_space<hbm>>) target(%dma_start3A_172 : memref<1x64xf32, #tpu.memory_space<vmem>>) target_semaphore(%arg7 : memref<!tpu.dma_semaphore, #tpu.memory_space<semaphore_mem>>)
      %slice3A_175 = vector.extract_strided_slice %get3A_41 {offsets = [11], sizes = [1], strides = [1]} : vector<16xi32> to vector<1xi32>
      %squeeze3A_176 = vector.extract %slice3A_175[0] : i32 from vector<1xi32>
      %add3A_177 = arith.constant 11 : i32
      %add3A_178 = arith.addi %add3A_45, %add3A_177 : i32
      %dma_start3A_179 = arith.constant 0 : i32
      %dma_start3A_180 = tpu.memref_slice %arg6[%add3A_178, %dma_start3A_179] : memref<512x64xf32, #tpu.memory_space<vmem>> -> memref<1x64xf32, #tpu.memory_space<vmem>>
      %dma_start3A_181 = arith.constant 0 : i32
      %dma_start3A_182 = tpu.memref_slice %arg3[%squeeze3A_176, %dma_start3A_181] : memref<1000000x64xf32, #tpu.memory_space<hbm>> -> memref<1x64xf32, #tpu.memory_space<hbm>>
      %dma_start3A_183 = arith.constant 0 : i32
      %dma_start3A_184 = tpu.memref_slice %arg6[%add3A_178, %dma_start3A_183] : memref<512x64xf32, #tpu.memory_space<vmem>> -> memref<1x64xf32, #tpu.memory_space<vmem>>
      %dma_start3A_185 = arith.constant 0 : i32
      %dma_start3A_186 = tpu.memref_slice %arg3[%squeeze3A_176, %dma_start3A_185] : memref<1000000x64xf32, #tpu.memory_space<hbm>> -> memref<1x64xf32, #tpu.memory_space<hbm>>
      tpu.enqueue_dma source(%dma_start3A_186 : memref<1x64xf32, #tpu.memory_space<hbm>>) target(%dma_start3A_184 : memref<1x64xf32, #tpu.memory_space<vmem>>) target_semaphore(%arg7 : memref<!tpu.dma_semaphore, #tpu.memory_space<semaphore_mem>>)
      %slice3A_187 = vector.extract_strided_slice %get3A_41 {offsets = [12], sizes = [1], strides = [1]} : vector<16xi32> to vector<1xi32>
      %squeeze3A_188 = vector.extract %slice3A_187[0] : i32 from vector<1xi32>
      %add3A_189 = arith.constant 12 : i32
      %add3A_190 = arith.addi %add3A_45, %add3A_189 : i32
      %dma_start3A_191 = arith.constant 0 : i32
      %dma_start3A_192 = tpu.memref_slice %arg6[%add3A_190, %dma_start3A_191] : memref<512x64xf32, #tpu.memory_space<vmem>> -> memref<1x64xf32, #tpu.memory_space<vmem>>
      %dma_start3A_193 = arith.constant 0 : i32
      %dma_start3A_194 = tpu.memref_slice %arg3[%squeeze3A_188, %dma_start3A_193] : memref<1000000x64xf32, #tpu.memory_space<hbm>> -> memref<1x64xf32, #tpu.memory_space<hbm>>
      %dma_start3A_195 = arith.constant 0 : i32
      %dma_start3A_196 = tpu.memref_slice %arg6[%add3A_190, %dma_start3A_195] : memref<512x64xf32, #tpu.memory_space<vmem>> -> memref<1x64xf32, #tpu.memory_space<vmem>>
      %dma_start3A_197 = arith.constant 0 : i32
      %dma_start3A_198 = tpu.memref_slice %arg3[%squeeze3A_188, %dma_start3A_197] : memref<1000000x64xf32, #tpu.memory_space<hbm>> -> memref<1x64xf32, #tpu.memory_space<hbm>>
      tpu.enqueue_dma source(%dma_start3A_198 : memref<1x64xf32, #tpu.memory_space<hbm>>) target(%dma_start3A_196 : memref<1x64xf32, #tpu.memory_space<vmem>>) target_semaphore(%arg7 : memref<!tpu.dma_semaphore, #tpu.memory_space<semaphore_mem>>)
      %slice3A_199 = vector.extract_strided_slice %get3A_41 {offsets = [13], sizes = [1], strides = [1]} : vector<16xi32> to vector<1xi32>
      %squeeze3A_200 = vector.extract %slice3A_199[0] : i32 from vector<1xi32>
      %add3A_201 = arith.constant 13 : i32
      %add3A_202 = arith.addi %add3A_45, %add3A_201 : i32
      %dma_start3A_203 = arith.constant 0 : i32
      %dma_start3A_204 = tpu.memref_slice %arg6[%add3A_202, %dma_start3A_203] : memref<512x64xf32, #tpu.memory_space<vmem>> -> memref<1x64xf32, #tpu.memory_space<vmem>>
      %dma_start3A_205 = arith.constant 0 : i32
      %dma_start3A_206 = tpu.memref_slice %arg3[%squeeze3A_200, %dma_start3A_205] : memref<1000000x64xf32, #tpu.memory_space<hbm>> -> memref<1x64xf32, #tpu.memory_space<hbm>>
      %dma_start3A_207 = arith.constant 0 : i32
      %dma_start3A_208 = tpu.memref_slice %arg6[%add3A_202, %dma_start3A_207] : memref<512x64xf32, #tpu.memory_space<vmem>> -> memref<1x64xf32, #tpu.memory_space<vmem>>
      %dma_start3A_209 = arith.constant 0 : i32
      %dma_start3A_210 = tpu.memref_slice %arg3[%squeeze3A_200, %dma_start3A_209] : memref<1000000x64xf32, #tpu.memory_space<hbm>> -> memref<1x64xf32, #tpu.memory_space<hbm>>
      tpu.enqueue_dma source(%dma_start3A_210 : memref<1x64xf32, #tpu.memory_space<hbm>>) target(%dma_start3A_208 : memref<1x64xf32, #tpu.memory_space<vmem>>) target_semaphore(%arg7 : memref<!tpu.dma_semaphore, #tpu.memory_space<semaphore_mem>>)
      %slice3A_211 = vector.extract_strided_slice %get3A_41 {offsets = [14], sizes = [1], strides = [1]} : vector<16xi32> to vector<1xi32>
      %squeeze3A_212 = vector.extract %slice3A_211[0] : i32 from vector<1xi32>
      %add3A_213 = arith.constant 14 : i32
      %add3A_214 = arith.addi %add3A_45, %add3A_213 : i32
      %dma_start3A_215 = arith.constant 0 : i32
      %dma_start3A_216 = tpu.memref_slice %arg6[%add3A_214, %dma_start3A_215] : memref<512x64xf32, #tpu.memory_space<vmem>> -> memref<1x64xf32, #tpu.memory_space<vmem>>
      %dma_start3A_217 = arith.constant 0 : i32
      %dma_start3A_218 = tpu.memref_slice %arg3[%squeeze3A_212, %dma_start3A_217] : memref<1000000x64xf32, #tpu.memory_space<hbm>> -> memref<1x64xf32, #tpu.memory_space<hbm>>
      %dma_start3A_219 = arith.constant 0 : i32
      %dma_start3A_220 = tpu.memref_slice %arg6[%add3A_214, %dma_start3A_219] : memref<512x64xf32, #tpu.memory_space<vmem>> -> memref<1x64xf32, #tpu.memory_space<vmem>>
      %dma_start3A_221 = arith.constant 0 : i32
      %dma_start3A_222 = tpu.memref_slice %arg3[%squeeze3A_212, %dma_start3A_221] : memref<1000000x64xf32, #tpu.memory_space<hbm>> -> memref<1x64xf32, #tpu.memory_space<hbm>>
      tpu.enqueue_dma source(%dma_start3A_222 : memref<1x64xf32, #tpu.memory_space<hbm>>) target(%dma_start3A_220 : memref<1x64xf32, #tpu.memory_space<vmem>>) target_semaphore(%arg7 : memref<!tpu.dma_semaphore, #tpu.memory_space<semaphore_mem>>)
      %slice3A_223 = vector.extract_strided_slice %get3A_41 {offsets = [15], sizes = [1], strides = [1]} : vector<16xi32> to vector<1xi32>
      %squeeze3A_224 = vector.extract %slice3A_223[0] : i32 from vector<1xi32>
      %add3A_225 = arith.constant 15 : i32
      %add3A_226 = arith.addi %add3A_45, %add3A_225 : i32
      %dma_start3A_227 = arith.constant 0 : i32
      %dma_start3A_228 = tpu.memref_slice %arg6[%add3A_226, %dma_start3A_227] : memref<512x64xf32, #tpu.memory_space<vmem>> -> memref<1x64xf32, #tpu.memory_space<vmem>>
      %dma_start3A_229 = arith.constant 0 : i32
      %dma_start3A_230 = tpu.memref_slice %arg3[%squeeze3A_224, %dma_start3A_229] : memref<1000000x64xf32, #tpu.memory_space<hbm>> -> memref<1x64xf32, #tpu.memory_space<hbm>>
      %dma_start3A_231 = arith.constant 0 : i32
      %dma_start3A_232 = tpu.memref_slice %arg6[%add3A_226, %dma_start3A_231] : memref<512x64xf32, #tpu.memory_space<vmem>> -> memref<1x64xf32, #tpu.memory_space<vmem>>
      %dma_start3A_233 = arith.constant 0 : i32
      %dma_start3A_234 = tpu.memref_slice %arg3[%squeeze3A_224, %dma_start3A_233] : memref<1000000x64xf32, #tpu.memory_space<hbm>> -> memref<1x64xf32, #tpu.memory_space<hbm>>
      tpu.enqueue_dma source(%dma_start3A_234 : memref<1x64xf32, #tpu.memory_space<hbm>>) target(%dma_start3A_232 : memref<1x64xf32, #tpu.memory_space<vmem>>) target_semaphore(%arg7 : memref<!tpu.dma_semaphore, #tpu.memory_space<semaphore_mem>>)
      %scan3A_235 = arith.constant 0 : i32
      scf.yield %scan3A_235 : i32
    }
    %scan3A_8 = arith.constant 8 : i32
    %scan3A_9 = arith.constant 0 : i32
    %scan3A_10 = arith.constant 0 : i32
    %scan3A_11 = arith.constant 8 : i32
    %scan3A_12 = arith.addi %scan3A_10, %scan3A_11 : i32
    %scan3A_13 = arith.constant 1 : i32
    %scan3A_14 = scf.for %scan3A_35 = %scan3A_10 to %scan3A_12 step %scan3A_13 iter_args(%scan3A_36 = %scan3A_9) -> (i32)  : i32 {
      %mul3A_37 = arith.constant 16 : i32
      %mul3A_38 = arith.muli %scan3A_35, %mul3A_37 : i32
      %get3A = arith.constant 1 : i32
      %get3A_39 = arith.index_cast %get3A : i32 to index
      %get3A_40 = arith.index_cast %mul3A_38 : i32 to index
      %get3A_41 = tpu.vector_load %arg5[%get3A_39, %get3A_40] {strides = array<i32>} : memref<4x128xi32, #tpu.memory_space<vmem>>, vector<16xi32>,
      %mul3A_42 = arith.constant 16 : i32
      %mul3A_43 = arith.muli %scan3A_35, %mul3A_42 : i32
      %add3A_44 = arith.constant 128 : i32
      %add3A_45 = arith.addi %add3A_44, %mul3A_43 : i32
      %slice3A = vector.extract_strided_slice %get3A_41 {offsets = [0], sizes = [1], strides = [1]} : vector<16xi32> to vector<1xi32>
      %squeeze3A = vector.extract %slice3A[0] : i32 from vector<1xi32>
      %add3A_46 = arith.constant 0 : i32
      %add3A_47 = arith.addi %add3A_45, %add3A_46 : i32
      %dma_start3A = arith.constant 0 : i32
      %dma_start3A_48 = tpu.memref_slice %arg6[%add3A_47, %dma_start3A] : memref<512x64xf32, #tpu.memory_space<vmem>> -> memref<1x64xf32, #tpu.memory_space<vmem>>
      %dma_start3A_49 = arith.constant 0 : i32
      %dma_start3A_50 = tpu.memref_slice %arg3[%squeeze3A, %dma_start3A_49] : memref<1000000x64xf32, #tpu.memory_space<hbm>> -> memref<1x64xf32, #tpu.memory_space<hbm>>
      %dma_start3A_51 = arith.constant 0 : i32
      %dma_start3A_52 = tpu.memref_slice %arg6[%add3A_47, %dma_start3A_51] : memref<512x64xf32, #tpu.memory_space<vmem>> -> memref<1x64xf32, #tpu.memory_space<vmem>>
      %dma_start3A_53 = arith.constant 0 : i32
      %dma_start3A_54 = tpu.memref_slice %arg3[%squeeze3A, %dma_start3A_53] : memref<1000000x64xf32, #tpu.memory_space<hbm>> -> memref<1x64xf32, #tpu.memory_space<hbm>>
      tpu.enqueue_dma source(%dma_start3A_54 : memref<1x64xf32, #tpu.memory_space<hbm>>) target(%dma_start3A_52 : memref<1x64xf32, #tpu.memory_space<vmem>>) target_semaphore(%arg7 : memref<!tpu.dma_semaphore, #tpu.memory_space<semaphore_mem>>)
      %slice3A_55 = vector.extract_strided_slice %get3A_41 {offsets = [1], sizes = [1], strides = [1]} : vector<16xi32> to vector<1xi32>
      %squeeze3A_56 = vector.extract %slice3A_55[0] : i32 from vector<1xi32>
      %add3A_57 = arith.constant 1 : i32
      %add3A_58 = arith.addi %add3A_45, %add3A_57 : i32
      %dma_start3A_59 = arith.constant 0 : i32
      %dma_start3A_60 = tpu.memref_slice %arg6[%add3A_58, %dma_start3A_59] : memref<512x64xf32, #tpu.memory_space<vmem>> -> memref<1x64xf32, #tpu.memory_space<vmem>>
      %dma_start3A_61 = arith.constant 0 : i32
      %dma_start3A_62 = tpu.memref_slice %arg3[%squeeze3A_56, %dma_start3A_61] : memref<1000000x64xf32, #tpu.memory_space<hbm>> -> memref<1x64xf32, #tpu.memory_space<hbm>>
      %dma_start3A_63 = arith.constant 0 : i32
      %dma_start3A_64 = tpu.memref_slice %arg6[%add3A_58, %dma_start3A_63] : memref<512x64xf32, #tpu.memory_space<vmem>> -> memref<1x64xf32, #tpu.memory_space<vmem>>
      %dma_start3A_65 = arith.constant 0 : i32
      %dma_start3A_66 = tpu.memref_slice %arg3[%squeeze3A_56, %dma_start3A_65] : memref<1000000x64xf32, #tpu.memory_space<hbm>> -> memref<1x64xf32, #tpu.memory_space<hbm>>
      tpu.enqueue_dma source(%dma_start3A_66 : memref<1x64xf32, #tpu.memory_space<hbm>>) target(%dma_start3A_64 : memref<1x64xf32, #tpu.memory_space<vmem>>) target_semaphore(%arg7 : memref<!tpu.dma_semaphore, #tpu.memory_space<semaphore_mem>>)
      %slice3A_67 = vector.extract_strided_slice %get3A_41 {offsets = [2], sizes = [1], strides = [1]} : vector<16xi32> to vector<1xi32>
      %squeeze3A_68 = vector.extract %slice3A_67[0] : i32 from vector<1xi32>
      %add3A_69 = arith.constant 2 : i32
      %add3A_70 = arith.addi %add3A_45, %add3A_69 : i32
      %dma_start3A_71 = arith.constant 0 : i32
      %dma_start3A_72 = tpu.memref_slice %arg6[%add3A_70, %dma_start3A_71] : memref<512x64xf32, #tpu.memory_space<vmem>> -> memref<1x64xf32, #tpu.memory_space<vmem>>
      %dma_start3A_73 = arith.constant 0 : i32
      %dma_start3A_74 = tpu.memref_slice %arg3[%squeeze3A_68, %dma_start3A_73] : memref<1000000x64xf32, #tpu.memory_space<hbm>> -> memref<1x64xf32, #tpu.memory_space<hbm>>
      %dma_start3A_75 = arith.constant 0 : i32
      %dma_start3A_76 = tpu.memref_slice %arg6[%add3A_70, %dma_start3A_75] : memref<512x64xf32, #tpu.memory_space<vmem>> -> memref<1x64xf32, #tpu.memory_space<vmem>>
      %dma_start3A_77 = arith.constant 0 : i32
      %dma_start3A_78 = tpu.memref_slice %arg3[%squeeze3A_68, %dma_start3A_77] : memref<1000000x64xf32, #tpu.memory_space<hbm>> -> memref<1x64xf32, #tpu.memory_space<hbm>>
      tpu.enqueue_dma source(%dma_start3A_78 : memref<1x64xf32, #tpu.memory_space<hbm>>) target(%dma_start3A_76 : memref<1x64xf32, #tpu.memory_space<vmem>>) target_semaphore(%arg7 : memref<!tpu.dma_semaphore, #tpu.memory_space<semaphore_mem>>)
      %slice3A_79 = vector.extract_strided_slice %get3A_41 {offsets = [3], sizes = [1], strides = [1]} : vector<16xi32> to vector<1xi32>
      %squeeze3A_80 = vector.extract %slice3A_79[0] : i32 from vector<1xi32>
      %add3A_81 = arith.constant 3 : i32
      %add3A_82 = arith.addi %add3A_45, %add3A_81 : i32
      %dma_start3A_83 = arith.constant 0 : i32
      %dma_start3A_84 = tpu.memref_slice %arg6[%add3A_82, %dma_start3A_83] : memref<512x64xf32, #tpu.memory_space<vmem>> -> memref<1x64xf32, #tpu.memory_space<vmem>>
      %dma_start3A_85 = arith.constant 0 : i32
      %dma_start3A_86 = tpu.memref_slice %arg3[%squeeze3A_80, %dma_start3A_85] : memref<1000000x64xf32, #tpu.memory_space<hbm>> -> memref<1x64xf32, #tpu.memory_space<hbm>>
      %dma_start3A_87 = arith.constant 0 : i32
      %dma_start3A_88 = tpu.memref_slice %arg6[%add3A_82, %dma_start3A_87] : memref<512x64xf32, #tpu.memory_space<vmem>> -> memref<1x64xf32, #tpu.memory_space<vmem>>
      %dma_start3A_89 = arith.constant 0 : i32
      %dma_start3A_90 = tpu.memref_slice %arg3[%squeeze3A_80, %dma_start3A_89] : memref<1000000x64xf32, #tpu.memory_space<hbm>> -> memref<1x64xf32, #tpu.memory_space<hbm>>
      tpu.enqueue_dma source(%dma_start3A_90 : memref<1x64xf32, #tpu.memory_space<hbm>>) target(%dma_start3A_88 : memref<1x64xf32, #tpu.memory_space<vmem>>) target_semaphore(%arg7 : memref<!tpu.dma_semaphore, #tpu.memory_space<semaphore_mem>>)
      %slice3A_91 = vector.extract_strided_slice %get3A_41 {offsets = [4], sizes = [1], strides = [1]} : vector<16xi32> to vector<1xi32>
      %squeeze3A_92 = vector.extract %slice3A_91[0] : i32 from vector<1xi32>
      %add3A_93 = arith.constant 4 : i32
      %add3A_94 = arith.addi %add3A_45, %add3A_93 : i32
      %dma_start3A_95 = arith.constant 0 : i32
      %dma_start3A_96 = tpu.memref_slice %arg6[%add3A_94, %dma_start3A_95] : memref<512x64xf32, #tpu.memory_space<vmem>> -> memref<1x64xf32, #tpu.memory_space<vmem>>
      %dma_start3A_97 = arith.constant 0 : i32
      %dma_start3A_98 = tpu.memref_slice %arg3[%squeeze3A_92, %dma_start3A_97] : memref<1000000x64xf32, #tpu.memory_space<hbm>> -> memref<1x64xf32, #tpu.memory_space<hbm>>
      %dma_start3A_99 = arith.constant 0 : i32
      %dma_start3A_100 = tpu.memref_slice %arg6[%add3A_94, %dma_start3A_99] : memref<512x64xf32, #tpu.memory_space<vmem>> -> memref<1x64xf32, #tpu.memory_space<vmem>>
      %dma_start3A_101 = arith.constant 0 : i32
      %dma_start3A_102 = tpu.memref_slice %arg3[%squeeze3A_92, %dma_start3A_101] : memref<1000000x64xf32, #tpu.memory_space<hbm>> -> memref<1x64xf32, #tpu.memory_space<hbm>>
      tpu.enqueue_dma source(%dma_start3A_102 : memref<1x64xf32, #tpu.memory_space<hbm>>) target(%dma_start3A_100 : memref<1x64xf32, #tpu.memory_space<vmem>>) target_semaphore(%arg7 : memref<!tpu.dma_semaphore, #tpu.memory_space<semaphore_mem>>)
      %slice3A_103 = vector.extract_strided_slice %get3A_41 {offsets = [5], sizes = [1], strides = [1]} : vector<16xi32> to vector<1xi32>
      %squeeze3A_104 = vector.extract %slice3A_103[0] : i32 from vector<1xi32>
      %add3A_105 = arith.constant 5 : i32
      %add3A_106 = arith.addi %add3A_45, %add3A_105 : i32
      %dma_start3A_107 = arith.constant 0 : i32
      %dma_start3A_108 = tpu.memref_slice %arg6[%add3A_106, %dma_start3A_107] : memref<512x64xf32, #tpu.memory_space<vmem>> -> memref<1x64xf32, #tpu.memory_space<vmem>>
      %dma_start3A_109 = arith.constant 0 : i32
      %dma_start3A_110 = tpu.memref_slice %arg3[%squeeze3A_104, %dma_start3A_109] : memref<1000000x64xf32, #tpu.memory_space<hbm>> -> memref<1x64xf32, #tpu.memory_space<hbm>>
      %dma_start3A_111 = arith.constant 0 : i32
      %dma_start3A_112 = tpu.memref_slice %arg6[%add3A_106, %dma_start3A_111] : memref<512x64xf32, #tpu.memory_space<vmem>> -> memref<1x64xf32, #tpu.memory_space<vmem>>
      %dma_start3A_113 = arith.constant 0 : i32
      %dma_start3A_114 = tpu.memref_slice %arg3[%squeeze3A_104, %dma_start3A_113] : memref<1000000x64xf32, #tpu.memory_space<hbm>> -> memref<1x64xf32, #tpu.memory_space<hbm>>
      tpu.enqueue_dma source(%dma_start3A_114 : memref<1x64xf32, #tpu.memory_space<hbm>>) target(%dma_start3A_112 : memref<1x64xf32, #tpu.memory_space<vmem>>) target_semaphore(%arg7 : memref<!tpu.dma_semaphore, #tpu.memory_space<semaphore_mem>>)
      %slice3A_115 = vector.extract_strided_slice %get3A_41 {offsets = [6], sizes = [1], strides = [1]} : vector<16xi32> to vector<1xi32>
      %squeeze3A_116 = vector.extract %slice3A_115[0] : i32 from vector<1xi32>
      %add3A_117 = arith.constant 6 : i32
      %add3A_118 = arith.addi %add3A_45, %add3A_117 : i32
      %dma_start3A_119 = arith.constant 0 : i32
      %dma_start3A_120 = tpu.memref_slice %arg6[%add3A_118, %dma_start3A_119] : memref<512x64xf32, #tpu.memory_space<vmem>> -> memref<1x64xf32, #tpu.memory_space<vmem>>
      %dma_start3A_121 = arith.constant 0 : i32
      %dma_start3A_122 = tpu.memref_slice %arg3[%squeeze3A_116, %dma_start3A_121] : memref<1000000x64xf32, #tpu.memory_space<hbm>> -> memref<1x64xf32, #tpu.memory_space<hbm>>
      %dma_start3A_123 = arith.constant 0 : i32
      %dma_start3A_124 = tpu.memref_slice %arg6[%add3A_118, %dma_start3A_123] : memref<512x64xf32, #tpu.memory_space<vmem>> -> memref<1x64xf32, #tpu.memory_space<vmem>>
      %dma_start3A_125 = arith.constant 0 : i32
      %dma_start3A_126 = tpu.memref_slice %arg3[%squeeze3A_116, %dma_start3A_125] : memref<1000000x64xf32, #tpu.memory_space<hbm>> -> memref<1x64xf32, #tpu.memory_space<hbm>>
      tpu.enqueue_dma source(%dma_start3A_126 : memref<1x64xf32, #tpu.memory_space<hbm>>) target(%dma_start3A_124 : memref<1x64xf32, #tpu.memory_space<vmem>>) target_semaphore(%arg7 : memref<!tpu.dma_semaphore, #tpu.memory_space<semaphore_mem>>)
      %slice3A_127 = vector.extract_strided_slice %get3A_41 {offsets = [7], sizes = [1], strides = [1]} : vector<16xi32> to vector<1xi32>
      %squeeze3A_128 = vector.extract %slice3A_127[0] : i32 from vector<1xi32>
      %add3A_129 = arith.constant 7 : i32
      %add3A_130 = arith.addi %add3A_45, %add3A_129 : i32
      %dma_start3A_131 = arith.constant 0 : i32
      %dma_start3A_132 = tpu.memref_slice %arg6[%add3A_130, %dma_start3A_131] : memref<512x64xf32, #tpu.memory_space<vmem>> -> memref<1x64xf32, #tpu.memory_space<vmem>>
      %dma_start3A_133 = arith.constant 0 : i32
      %dma_start3A_134 = tpu.memref_slice %arg3[%squeeze3A_128, %dma_start3A_133] : memref<1000000x64xf32, #tpu.memory_space<hbm>> -> memref<1x64xf32, #tpu.memory_space<hbm>>
      %dma_start3A_135 = arith.constant 0 : i32
      %dma_start3A_136 = tpu.memref_slice %arg6[%add3A_130, %dma_start3A_135] : memref<512x64xf32, #tpu.memory_space<vmem>> -> memref<1x64xf32, #tpu.memory_space<vmem>>
      %dma_start3A_137 = arith.constant 0 : i32
      %dma_start3A_138 = tpu.memref_slice %arg3[%squeeze3A_128, %dma_start3A_137] : memref<1000000x64xf32, #tpu.memory_space<hbm>> -> memref<1x64xf32, #tpu.memory_space<hbm>>
      tpu.enqueue_dma source(%dma_start3A_138 : memref<1x64xf32, #tpu.memory_space<hbm>>) target(%dma_start3A_136 : memref<1x64xf32, #tpu.memory_space<vmem>>) target_semaphore(%arg7 : memref<!tpu.dma_semaphore, #tpu.memory_space<semaphore_mem>>)
      %slice3A_139 = vector.extract_strided_slice %get3A_41 {offsets = [8], sizes = [1], strides = [1]} : vector<16xi32> to vector<1xi32>
      %squeeze3A_140 = vector.extract %slice3A_139[0] : i32 from vector<1xi32>
      %add3A_141 = arith.constant 8 : i32
      %add3A_142 = arith.addi %add3A_45, %add3A_141 : i32
      %dma_start3A_143 = arith.constant 0 : i32
      %dma_start3A_144 = tpu.memref_slice %arg6[%add3A_142, %dma_start3A_143] : memref<512x64xf32, #tpu.memory_space<vmem>> -> memref<1x64xf32, #tpu.memory_space<vmem>>
      %dma_start3A_145 = arith.constant 0 : i32
      %dma_start3A_146 = tpu.memref_slice %arg3[%squeeze3A_140, %dma_start3A_145] : memref<1000000x64xf32, #tpu.memory_space<hbm>> -> memref<1x64xf32, #tpu.memory_space<hbm>>
      %dma_start3A_147 = arith.constant 0 : i32
      %dma_start3A_148 = tpu.memref_slice %arg6[%add3A_142, %dma_start3A_147] : memref<512x64xf32, #tpu.memory_space<vmem>> -> memref<1x64xf32, #tpu.memory_space<vmem>>
      %dma_start3A_149 = arith.constant 0 : i32
      %dma_start3A_150 = tpu.memref_slice %arg3[%squeeze3A_140, %dma_start3A_149] : memref<1000000x64xf32, #tpu.memory_space<hbm>> -> memref<1x64xf32, #tpu.memory_space<hbm>>
      tpu.enqueue_dma source(%dma_start3A_150 : memref<1x64xf32, #tpu.memory_space<hbm>>) target(%dma_start3A_148 : memref<1x64xf32, #tpu.memory_space<vmem>>) target_semaphore(%arg7 : memref<!tpu.dma_semaphore, #tpu.memory_space<semaphore_mem>>)
      %slice3A_151 = vector.extract_strided_slice %get3A_41 {offsets = [9], sizes = [1], strides = [1]} : vector<16xi32> to vector<1xi32>
      %squeeze3A_152 = vector.extract %slice3A_151[0] : i32 from vector<1xi32>
      %add3A_153 = arith.constant 9 : i32
      %add3A_154 = arith.addi %add3A_45, %add3A_153 : i32
      %dma_start3A_155 = arith.constant 0 : i32
      %dma_start3A_156 = tpu.memref_slice %arg6[%add3A_154, %dma_start3A_155] : memref<512x64xf32, #tpu.memory_space<vmem>> -> memref<1x64xf32, #tpu.memory_space<vmem>>
      %dma_start3A_157 = arith.constant 0 : i32
      %dma_start3A_158 = tpu.memref_slice %arg3[%squeeze3A_152, %dma_start3A_157] : memref<1000000x64xf32, #tpu.memory_space<hbm>> -> memref<1x64xf32, #tpu.memory_space<hbm>>
      %dma_start3A_159 = arith.constant 0 : i32
      %dma_start3A_160 = tpu.memref_slice %arg6[%add3A_154, %dma_start3A_159] : memref<512x64xf32, #tpu.memory_space<vmem>> -> memref<1x64xf32, #tpu.memory_space<vmem>>
      %dma_start3A_161 = arith.constant 0 : i32
      %dma_start3A_162 = tpu.memref_slice %arg3[%squeeze3A_152, %dma_start3A_161] : memref<1000000x64xf32, #tpu.memory_space<hbm>> -> memref<1x64xf32, #tpu.memory_space<hbm>>
      tpu.enqueue_dma source(%dma_start3A_162 : memref<1x64xf32, #tpu.memory_space<hbm>>) target(%dma_start3A_160 : memref<1x64xf32, #tpu.memory_space<vmem>>) target_semaphore(%arg7 : memref<!tpu.dma_semaphore, #tpu.memory_space<semaphore_mem>>)
      %slice3A_163 = vector.extract_strided_slice %get3A_41 {offsets = [10], sizes = [1], strides = [1]} : vector<16xi32> to vector<1xi32>
      %squeeze3A_164 = vector.extract %slice3A_163[0] : i32 from vector<1xi32>
      %add3A_165 = arith.constant 10 : i32
      %add3A_166 = arith.addi %add3A_45, %add3A_165 : i32
      %dma_start3A_167 = arith.constant 0 : i32
      %dma_start3A_168 = tpu.memref_slice %arg6[%add3A_166, %dma_start3A_167] : memref<512x64xf32, #tpu.memory_space<vmem>> -> memref<1x64xf32, #tpu.memory_space<vmem>>
      %dma_start3A_169 = arith.constant 0 : i32
      %dma_start3A_170 = tpu.memref_slice %arg3[%squeeze3A_164, %dma_start3A_169] : memref<1000000x64xf32, #tpu.memory_space<hbm>> -> memref<1x64xf32, #tpu.memory_space<hbm>>
      %dma_start3A_171 = arith.constant 0 : i32
      %dma_start3A_172 = tpu.memref_slice %arg6[%add3A_166, %dma_start3A_171] : memref<512x64xf32, #tpu.memory_space<vmem>> -> memref<1x64xf32, #tpu.memory_space<vmem>>
      %dma_start3A_173 = arith.constant 0 : i32
      %dma_start3A_174 = tpu.memref_slice %arg3[%squeeze3A_164, %dma_start3A_173] : memref<1000000x64xf32, #tpu.memory_space<hbm>> -> memref<1x64xf32, #tpu.memory_space<hbm>>
      tpu.enqueue_dma source(%dma_start3A_174 : memref<1x64xf32, #tpu.memory_space<hbm>>) target(%dma_start3A_172 : memref<1x64xf32, #tpu.memory_space<vmem>>) target_semaphore(%arg7 : memref<!tpu.dma_semaphore, #tpu.memory_space<semaphore_mem>>)
      %slice3A_175 = vector.extract_strided_slice %get3A_41 {offsets = [11], sizes = [1], strides = [1]} : vector<16xi32> to vector<1xi32>
      %squeeze3A_176 = vector.extract %slice3A_175[0] : i32 from vector<1xi32>
      %add3A_177 = arith.constant 11 : i32
      %add3A_178 = arith.addi %add3A_45, %add3A_177 : i32
      %dma_start3A_179 = arith.constant 0 : i32
      %dma_start3A_180 = tpu.memref_slice %arg6[%add3A_178, %dma_start3A_179] : memref<512x64xf32, #tpu.memory_space<vmem>> -> memref<1x64xf32, #tpu.memory_space<vmem>>
      %dma_start3A_181 = arith.constant 0 : i32
      %dma_start3A_182 = tpu.memref_slice %arg3[%squeeze3A_176, %dma_start3A_181] : memref<1000000x64xf32, #tpu.memory_space<hbm>> -> memref<1x64xf32, #tpu.memory_space<hbm>>
      %dma_start3A_183 = arith.constant 0 : i32
      %dma_start3A_184 = tpu.memref_slice %arg6[%add3A_178, %dma_start3A_183] : memref<512x64xf32, #tpu.memory_space<vmem>> -> memref<1x64xf32, #tpu.memory_space<vmem>>
      %dma_start3A_185 = arith.constant 0 : i32
      %dma_start3A_186 = tpu.memref_slice %arg3[%squeeze3A_176, %dma_start3A_185] : memref<1000000x64xf32, #tpu.memory_space<hbm>> -> memref<1x64xf32, #tpu.memory_space<hbm>>
      tpu.enqueue_dma source(%dma_start3A_186 : memref<1x64xf32, #tpu.memory_space<hbm>>) target(%dma_start3A_184 : memref<1x64xf32, #tpu.memory_space<vmem>>) target_semaphore(%arg7 : memref<!tpu.dma_semaphore, #tpu.memory_space<semaphore_mem>>)
      %slice3A_187 = vector.extract_strided_slice %get3A_41 {offsets = [12], sizes = [1], strides = [1]} : vector<16xi32> to vector<1xi32>
      %squeeze3A_188 = vector.extract %slice3A_187[0] : i32 from vector<1xi32>
      %add3A_189 = arith.constant 12 : i32
      %add3A_190 = arith.addi %add3A_45, %add3A_189 : i32
      %dma_start3A_191 = arith.constant 0 : i32
      %dma_start3A_192 = tpu.memref_slice %arg6[%add3A_190, %dma_start3A_191] : memref<512x64xf32, #tpu.memory_space<vmem>> -> memref<1x64xf32, #tpu.memory_space<vmem>>
      %dma_start3A_193 = arith.constant 0 : i32
      %dma_start3A_194 = tpu.memref_slice %arg3[%squeeze3A_188, %dma_start3A_193] : memref<1000000x64xf32, #tpu.memory_space<hbm>> -> memref<1x64xf32, #tpu.memory_space<hbm>>
      %dma_start3A_195 = arith.constant 0 : i32
      %dma_start3A_196 = tpu.memref_slice %arg6[%add3A_190, %dma_start3A_195] : memref<512x64xf32, #tpu.memory_space<vmem>> -> memref<1x64xf32, #tpu.memory_space<vmem>>
      %dma_start3A_197 = arith.constant 0 : i32
      %dma_start3A_198 = tpu.memref_slice %arg3[%squeeze3A_188, %dma_start3A_197] : memref<1000000x64xf32, #tpu.memory_space<hbm>> -> memref<1x64xf32, #tpu.memory_space<hbm>>
      tpu.enqueue_dma source(%dma_start3A_198 : memref<1x64xf32, #tpu.memory_space<hbm>>) target(%dma_start3A_196 : memref<1x64xf32, #tpu.memory_space<vmem>>) target_semaphore(%arg7 : memref<!tpu.dma_semaphore, #tpu.memory_space<semaphore_mem>>)
      %slice3A_199 = vector.extract_strided_slice %get3A_41 {offsets = [13], sizes = [1], strides = [1]} : vector<16xi32> to vector<1xi32>
      %squeeze3A_200 = vector.extract %slice3A_199[0] : i32 from vector<1xi32>
      %add3A_201 = arith.constant 13 : i32
      %add3A_202 = arith.addi %add3A_45, %add3A_201 : i32
      %dma_start3A_203 = arith.constant 0 : i32
      %dma_start3A_204 = tpu.memref_slice %arg6[%add3A_202, %dma_start3A_203] : memref<512x64xf32, #tpu.memory_space<vmem>> -> memref<1x64xf32, #tpu.memory_space<vmem>>
      %dma_start3A_205 = arith.constant 0 : i32
      %dma_start3A_206 = tpu.memref_slice %arg3[%squeeze3A_200, %dma_start3A_205] : memref<1000000x64xf32, #tpu.memory_space<hbm>> -> memref<1x64xf32, #tpu.memory_space<hbm>>
      %dma_start3A_207 = arith.constant 0 : i32
      %dma_start3A_208 = tpu.memref_slice %arg6[%add3A_202, %dma_start3A_207] : memref<512x64xf32, #tpu.memory_space<vmem>> -> memref<1x64xf32, #tpu.memory_space<vmem>>
      %dma_start3A_209 = arith.constant 0 : i32
      %dma_start3A_210 = tpu.memref_slice %arg3[%squeeze3A_200, %dma_start3A_209] : memref<1000000x64xf32, #tpu.memory_space<hbm>> -> memref<1x64xf32, #tpu.memory_space<hbm>>
      tpu.enqueue_dma source(%dma_start3A_210 : memref<1x64xf32, #tpu.memory_space<hbm>>) target(%dma_start3A_208 : memref<1x64xf32, #tpu.memory_space<vmem>>) target_semaphore(%arg7 : memref<!tpu.dma_semaphore, #tpu.memory_space<semaphore_mem>>)
      %slice3A_211 = vector.extract_strided_slice %get3A_41 {offsets = [14], sizes = [1], strides = [1]} : vector<16xi32> to vector<1xi32>
      %squeeze3A_212 = vector.extract %slice3A_211[0] : i32 from vector<1xi32>
      %add3A_213 = arith.constant 14 : i32
      %add3A_214 = arith.addi %add3A_45, %add3A_213 : i32
      %dma_start3A_215 = arith.constant 0 : i32
      %dma_start3A_216 = tpu.memref_slice %arg6[%add3A_214, %dma_start3A_215] : memref<512x64xf32, #tpu.memory_space<vmem>> -> memref<1x64xf32, #tpu.memory_space<vmem>>
      %dma_start3A_217 = arith.constant 0 : i32
      %dma_start3A_218 = tpu.memref_slice %arg3[%squeeze3A_212, %dma_start3A_217] : memref<1000000x64xf32, #tpu.memory_space<hbm>> -> memref<1x64xf32, #tpu.memory_space<hbm>>
      %dma_start3A_219 = arith.constant 0 : i32
      %dma_start3A_220 = tpu.memref_slice %arg6[%add3A_214, %dma_start3A_219] : memref<512x64xf32, #tpu.memory_space<vmem>> -> memref<1x64xf32, #tpu.memory_space<vmem>>
      %dma_start3A_221 = arith.constant 0 : i32
      %dma_start3A_222 = tpu.memref_slice %arg3[%squeeze3A_212, %dma_start3A_221] : memref<1000000x64xf32, #tpu.memory_space<hbm>> -> memref<1x64xf32, #tpu.memory_space<hbm>>
      tpu.enqueue_dma source(%dma_start3A_222 : memref<1x64xf32, #tpu.memory_space<hbm>>) target(%dma_start3A_220 : memref<1x64xf32, #tpu.memory_space<vmem>>) target_semaphore(%arg7 : memref<!tpu.dma_semaphore, #tpu.memory_space<semaphore_mem>>)
      %slice3A_223 = vector.extract_strided_slice %get3A_41 {offsets = [15], sizes = [1], strides = [1]} : vector<16xi32> to vector<1xi32>
      %squeeze3A_224 = vector.extract %slice3A_223[0] : i32 from vector<1xi32>
      %add3A_225 = arith.constant 15 : i32
      %add3A_226 = arith.addi %add3A_45, %add3A_225 : i32
      %dma_start3A_227 = arith.constant 0 : i32
      %dma_start3A_228 = tpu.memref_slice %arg6[%add3A_226, %dma_start3A_227] : memref<512x64xf32, #tpu.memory_space<vmem>> -> memref<1x64xf32, #tpu.memory_space<vmem>>
      %dma_start3A_229 = arith.constant 0 : i32
      %dma_start3A_230 = tpu.memref_slice %arg3[%squeeze3A_224, %dma_start3A_229] : memref<1000000x64xf32, #tpu.memory_space<hbm>> -> memref<1x64xf32, #tpu.memory_space<hbm>>
      %dma_start3A_231 = arith.constant 0 : i32
      %dma_start3A_232 = tpu.memref_slice %arg6[%add3A_226, %dma_start3A_231] : memref<512x64xf32, #tpu.memory_space<vmem>> -> memref<1x64xf32, #tpu.memory_space<vmem>>
      %dma_start3A_233 = arith.constant 0 : i32
      %dma_start3A_234 = tpu.memref_slice %arg3[%squeeze3A_224, %dma_start3A_233] : memref<1000000x64xf32, #tpu.memory_space<hbm>> -> memref<1x64xf32, #tpu.memory_space<hbm>>
      tpu.enqueue_dma source(%dma_start3A_234 : memref<1x64xf32, #tpu.memory_space<hbm>>) target(%dma_start3A_232 : memref<1x64xf32, #tpu.memory_space<vmem>>) target_semaphore(%arg7 : memref<!tpu.dma_semaphore, #tpu.memory_space<semaphore_mem>>)
      %scan3A_235 = arith.constant 0 : i32
      scf.yield %scan3A_235 : i32
    }
    %scan3A_15 = arith.constant 8 : i32
    %scan3A_16 = arith.constant 0 : i32
    %scan3A_17 = arith.constant 0 : i32
    %scan3A_18 = arith.constant 8 : i32
    %scan3A_19 = arith.addi %scan3A_17, %scan3A_18 : i32
    %scan3A_20 = arith.constant 1 : i32
    %scan3A_21 = scf.for %scan3A_35 = %scan3A_17 to %scan3A_19 step %scan3A_20 iter_args(%scan3A_36 = %scan3A_16) -> (i32)  : i32 {
      %mul3A_37 = arith.constant 16 : i32
      %mul3A_38 = arith.muli %scan3A_35, %mul3A_37 : i32
      %get3A = arith.constant 2 : i32
      %get3A_39 = arith.index_cast %get3A : i32 to index
      %get3A_40 = arith.index_cast %mul3A_38 : i32 to index
      %get3A_41 = tpu.vector_load %arg5[%get3A_39, %get3A_40] {strides = array<i32>} : memref<4x128xi32, #tpu.memory_space<vmem>>, vector<16xi32>,
      %mul3A_42 = arith.constant 16 : i32
      %mul3A_43 = arith.muli %scan3A_35, %mul3A_42 : i32
      %add3A_44 = arith.constant 256 : i32
      %add3A_45 = arith.addi %add3A_44, %mul3A_43 : i32
      %slice3A = vector.extract_strided_slice %get3A_41 {offsets = [0], sizes = [1], strides = [1]} : vector<16xi32> to vector<1xi32>
      %squeeze3A = vector.extract %slice3A[0] : i32 from vector<1xi32>
      %add3A_46 = arith.constant 0 : i32
      %add3A_47 = arith.addi %add3A_45, %add3A_46 : i32
      %dma_start3A = arith.constant 0 : i32
      %dma_start3A_48 = tpu.memref_slice %arg6[%add3A_47, %dma_start3A] : memref<512x64xf32, #tpu.memory_space<vmem>> -> memref<1x64xf32, #tpu.memory_space<vmem>>
      %dma_start3A_49 = arith.constant 0 : i32
      %dma_start3A_50 = tpu.memref_slice %arg3[%squeeze3A, %dma_start3A_49] : memref<1000000x64xf32, #tpu.memory_space<hbm>> -> memref<1x64xf32, #tpu.memory_space<hbm>>
      %dma_start3A_51 = arith.constant 0 : i32
      %dma_start3A_52 = tpu.memref_slice %arg6[%add3A_47, %dma_start3A_51] : memref<512x64xf32, #tpu.memory_space<vmem>> -> memref<1x64xf32, #tpu.memory_space<vmem>>
      %dma_start3A_53 = arith.constant 0 : i32
      %dma_start3A_54 = tpu.memref_slice %arg3[%squeeze3A, %dma_start3A_53] : memref<1000000x64xf32, #tpu.memory_space<hbm>> -> memref<1x64xf32, #tpu.memory_space<hbm>>
      tpu.enqueue_dma source(%dma_start3A_54 : memref<1x64xf32, #tpu.memory_space<hbm>>) target(%dma_start3A_52 : memref<1x64xf32, #tpu.memory_space<vmem>>) target_semaphore(%arg7 : memref<!tpu.dma_semaphore, #tpu.memory_space<semaphore_mem>>)
      %slice3A_55 = vector.extract_strided_slice %get3A_41 {offsets = [1], sizes = [1], strides = [1]} : vector<16xi32> to vector<1xi32>
      %squeeze3A_56 = vector.extract %slice3A_55[0] : i32 from vector<1xi32>
      %add3A_57 = arith.constant 1 : i32
      %add3A_58 = arith.addi %add3A_45, %add3A_57 : i32
      %dma_start3A_59 = arith.constant 0 : i32
      %dma_start3A_60 = tpu.memref_slice %arg6[%add3A_58, %dma_start3A_59] : memref<512x64xf32, #tpu.memory_space<vmem>> -> memref<1x64xf32, #tpu.memory_space<vmem>>
      %dma_start3A_61 = arith.constant 0 : i32
      %dma_start3A_62 = tpu.memref_slice %arg3[%squeeze3A_56, %dma_start3A_61] : memref<1000000x64xf32, #tpu.memory_space<hbm>> -> memref<1x64xf32, #tpu.memory_space<hbm>>
      %dma_start3A_63 = arith.constant 0 : i32
      %dma_start3A_64 = tpu.memref_slice %arg6[%add3A_58, %dma_start3A_63] : memref<512x64xf32, #tpu.memory_space<vmem>> -> memref<1x64xf32, #tpu.memory_space<vmem>>
      %dma_start3A_65 = arith.constant 0 : i32
      %dma_start3A_66 = tpu.memref_slice %arg3[%squeeze3A_56, %dma_start3A_65] : memref<1000000x64xf32, #tpu.memory_space<hbm>> -> memref<1x64xf32, #tpu.memory_space<hbm>>
      tpu.enqueue_dma source(%dma_start3A_66 : memref<1x64xf32, #tpu.memory_space<hbm>>) target(%dma_start3A_64 : memref<1x64xf32, #tpu.memory_space<vmem>>) target_semaphore(%arg7 : memref<!tpu.dma_semaphore, #tpu.memory_space<semaphore_mem>>)
      %slice3A_67 = vector.extract_strided_slice %get3A_41 {offsets = [2], sizes = [1], strides = [1]} : vector<16xi32> to vector<1xi32>
      %squeeze3A_68 = vector.extract %slice3A_67[0] : i32 from vector<1xi32>
      %add3A_69 = arith.constant 2 : i32
      %add3A_70 = arith.addi %add3A_45, %add3A_69 : i32
      %dma_start3A_71 = arith.constant 0 : i32
      %dma_start3A_72 = tpu.memref_slice %arg6[%add3A_70, %dma_start3A_71] : memref<512x64xf32, #tpu.memory_space<vmem>> -> memref<1x64xf32, #tpu.memory_space<vmem>>
      %dma_start3A_73 = arith.constant 0 : i32
      %dma_start3A_74 = tpu.memref_slice %arg3[%squeeze3A_68, %dma_start3A_73] : memref<1000000x64xf32, #tpu.memory_space<hbm>> -> memref<1x64xf32, #tpu.memory_space<hbm>>
      %dma_start3A_75 = arith.constant 0 : i32
      %dma_start3A_76 = tpu.memref_slice %arg6[%add3A_70, %dma_start3A_75] : memref<512x64xf32, #tpu.memory_space<vmem>> -> memref<1x64xf32, #tpu.memory_space<vmem>>
      %dma_start3A_77 = arith.constant 0 : i32
      %dma_start3A_78 = tpu.memref_slice %arg3[%squeeze3A_68, %dma_start3A_77] : memref<1000000x64xf32, #tpu.memory_space<hbm>> -> memref<1x64xf32, #tpu.memory_space<hbm>>
      tpu.enqueue_dma source(%dma_start3A_78 : memref<1x64xf32, #tpu.memory_space<hbm>>) target(%dma_start3A_76 : memref<1x64xf32, #tpu.memory_space<vmem>>) target_semaphore(%arg7 : memref<!tpu.dma_semaphore, #tpu.memory_space<semaphore_mem>>)
      %slice3A_79 = vector.extract_strided_slice %get3A_41 {offsets = [3], sizes = [1], strides = [1]} : vector<16xi32> to vector<1xi32>
      %squeeze3A_80 = vector.extract %slice3A_79[0] : i32 from vector<1xi32>
      %add3A_81 = arith.constant 3 : i32
      %add3A_82 = arith.addi %add3A_45, %add3A_81 : i32
      %dma_start3A_83 = arith.constant 0 : i32
      %dma_start3A_84 = tpu.memref_slice %arg6[%add3A_82, %dma_start3A_83] : memref<512x64xf32, #tpu.memory_space<vmem>> -> memref<1x64xf32, #tpu.memory_space<vmem>>
      %dma_start3A_85 = arith.constant 0 : i32
      %dma_start3A_86 = tpu.memref_slice %arg3[%squeeze3A_80, %dma_start3A_85] : memref<1000000x64xf32, #tpu.memory_space<hbm>> -> memref<1x64xf32, #tpu.memory_space<hbm>>
      %dma_start3A_87 = arith.constant 0 : i32
      %dma_start3A_88 = tpu.memref_slice %arg6[%add3A_82, %dma_start3A_87] : memref<512x64xf32, #tpu.memory_space<vmem>> -> memref<1x64xf32, #tpu.memory_space<vmem>>
      %dma_start3A_89 = arith.constant 0 : i32
      %dma_start3A_90 = tpu.memref_slice %arg3[%squeeze3A_80, %dma_start3A_89] : memref<1000000x64xf32, #tpu.memory_space<hbm>> -> memref<1x64xf32, #tpu.memory_space<hbm>>
      tpu.enqueue_dma source(%dma_start3A_90 : memref<1x64xf32, #tpu.memory_space<hbm>>) target(%dma_start3A_88 : memref<1x64xf32, #tpu.memory_space<vmem>>) target_semaphore(%arg7 : memref<!tpu.dma_semaphore, #tpu.memory_space<semaphore_mem>>)
      %slice3A_91 = vector.extract_strided_slice %get3A_41 {offsets = [4], sizes = [1], strides = [1]} : vector<16xi32> to vector<1xi32>
      %squeeze3A_92 = vector.extract %slice3A_91[0] : i32 from vector<1xi32>
      %add3A_93 = arith.constant 4 : i32
      %add3A_94 = arith.addi %add3A_45, %add3A_93 : i32
      %dma_start3A_95 = arith.constant 0 : i32
      %dma_start3A_96 = tpu.memref_slice %arg6[%add3A_94, %dma_start3A_95] : memref<512x64xf32, #tpu.memory_space<vmem>> -> memref<1x64xf32, #tpu.memory_space<vmem>>
      %dma_start3A_97 = arith.constant 0 : i32
      %dma_start3A_98 = tpu.memref_slice %arg3[%squeeze3A_92, %dma_start3A_97] : memref<1000000x64xf32, #tpu.memory_space<hbm>> -> memref<1x64xf32, #tpu.memory_space<hbm>>
      %dma_start3A_99 = arith.constant 0 : i32
      %dma_start3A_100 = tpu.memref_slice %arg6[%add3A_94, %dma_start3A_99] : memref<512x64xf32, #tpu.memory_space<vmem>> -> memref<1x64xf32, #tpu.memory_space<vmem>>
      %dma_start3A_101 = arith.constant 0 : i32
      %dma_start3A_102 = tpu.memref_slice %arg3[%squeeze3A_92, %dma_start3A_101] : memref<1000000x64xf32, #tpu.memory_space<hbm>> -> memref<1x64xf32, #tpu.memory_space<hbm>>
      tpu.enqueue_dma source(%dma_start3A_102 : memref<1x64xf32, #tpu.memory_space<hbm>>) target(%dma_start3A_100 : memref<1x64xf32, #tpu.memory_space<vmem>>) target_semaphore(%arg7 : memref<!tpu.dma_semaphore, #tpu.memory_space<semaphore_mem>>)
      %slice3A_103 = vector.extract_strided_slice %get3A_41 {offsets = [5], sizes = [1], strides = [1]} : vector<16xi32> to vector<1xi32>
      %squeeze3A_104 = vector.extract %slice3A_103[0] : i32 from vector<1xi32>
      %add3A_105 = arith.constant 5 : i32
      %add3A_106 = arith.addi %add3A_45, %add3A_105 : i32
      %dma_start3A_107 = arith.constant 0 : i32
      %dma_start3A_108 = tpu.memref_slice %arg6[%add3A_106, %dma_start3A_107] : memref<512x64xf32, #tpu.memory_space<vmem>> -> memref<1x64xf32, #tpu.memory_space<vmem>>
      %dma_start3A_109 = arith.constant 0 : i32
      %dma_start3A_110 = tpu.memref_slice %arg3[%squeeze3A_104, %dma_start3A_109] : memref<1000000x64xf32, #tpu.memory_space<hbm>> -> memref<1x64xf32, #tpu.memory_space<hbm>>
      %dma_start3A_111 = arith.constant 0 : i32
      %dma_start3A_112 = tpu.memref_slice %arg6[%add3A_106, %dma_start3A_111] : memref<512x64xf32, #tpu.memory_space<vmem>> -> memref<1x64xf32, #tpu.memory_space<vmem>>
      %dma_start3A_113 = arith.constant 0 : i32
      %dma_start3A_114 = tpu.memref_slice %arg3[%squeeze3A_104, %dma_start3A_113] : memref<1000000x64xf32, #tpu.memory_space<hbm>> -> memref<1x64xf32, #tpu.memory_space<hbm>>
      tpu.enqueue_dma source(%dma_start3A_114 : memref<1x64xf32, #tpu.memory_space<hbm>>) target(%dma_start3A_112 : memref<1x64xf32, #tpu.memory_space<vmem>>) target_semaphore(%arg7 : memref<!tpu.dma_semaphore, #tpu.memory_space<semaphore_mem>>)
      %slice3A_115 = vector.extract_strided_slice %get3A_41 {offsets = [6], sizes = [1], strides = [1]} : vector<16xi32> to vector<1xi32>
      %squeeze3A_116 = vector.extract %slice3A_115[0] : i32 from vector<1xi32>
      %add3A_117 = arith.constant 6 : i32
      %add3A_118 = arith.addi %add3A_45, %add3A_117 : i32
      %dma_start3A_119 = arith.constant 0 : i32
      %dma_start3A_120 = tpu.memref_slice %arg6[%add3A_118, %dma_start3A_119] : memref<512x64xf32, #tpu.memory_space<vmem>> -> memref<1x64xf32, #tpu.memory_space<vmem>>
      %dma_start3A_121 = arith.constant 0 : i32
      %dma_start3A_122 = tpu.memref_slice %arg3[%squeeze3A_116, %dma_start3A_121] : memref<1000000x64xf32, #tpu.memory_space<hbm>> -> memref<1x64xf32, #tpu.memory_space<hbm>>
      %dma_start3A_123 = arith.constant 0 : i32
      %dma_start3A_124 = tpu.memref_slice %arg6[%add3A_118, %dma_start3A_123] : memref<512x64xf32, #tpu.memory_space<vmem>> -> memref<1x64xf32, #tpu.memory_space<vmem>>
      %dma_start3A_125 = arith.constant 0 : i32
      %dma_start3A_126 = tpu.memref_slice %arg3[%squeeze3A_116, %dma_start3A_125] : memref<1000000x64xf32, #tpu.memory_space<hbm>> -> memref<1x64xf32, #tpu.memory_space<hbm>>
      tpu.enqueue_dma source(%dma_start3A_126 : memref<1x64xf32, #tpu.memory_space<hbm>>) target(%dma_start3A_124 : memref<1x64xf32, #tpu.memory_space<vmem>>) target_semaphore(%arg7 : memref<!tpu.dma_semaphore, #tpu.memory_space<semaphore_mem>>)
      %slice3A_127 = vector.extract_strided_slice %get3A_41 {offsets = [7], sizes = [1], strides = [1]} : vector<16xi32> to vector<1xi32>
      %squeeze3A_128 = vector.extract %slice3A_127[0] : i32 from vector<1xi32>
      %add3A_129 = arith.constant 7 : i32
      %add3A_130 = arith.addi %add3A_45, %add3A_129 : i32
      %dma_start3A_131 = arith.constant 0 : i32
      %dma_start3A_132 = tpu.memref_slice %arg6[%add3A_130, %dma_start3A_131] : memref<512x64xf32, #tpu.memory_space<vmem>> -> memref<1x64xf32, #tpu.memory_space<vmem>>
      %dma_start3A_133 = arith.constant 0 : i32
      %dma_start3A_134 = tpu.memref_slice %arg3[%squeeze3A_128, %dma_start3A_133] : memref<1000000x64xf32, #tpu.memory_space<hbm>> -> memref<1x64xf32, #tpu.memory_space<hbm>>
      %dma_start3A_135 = arith.constant 0 : i32
      %dma_start3A_136 = tpu.memref_slice %arg6[%add3A_130, %dma_start3A_135] : memref<512x64xf32, #tpu.memory_space<vmem>> -> memref<1x64xf32, #tpu.memory_space<vmem>>
      %dma_start3A_137 = arith.constant 0 : i32
      %dma_start3A_138 = tpu.memref_slice %arg3[%squeeze3A_128, %dma_start3A_137] : memref<1000000x64xf32, #tpu.memory_space<hbm>> -> memref<1x64xf32, #tpu.memory_space<hbm>>
      tpu.enqueue_dma source(%dma_start3A_138 : memref<1x64xf32, #tpu.memory_space<hbm>>) target(%dma_start3A_136 : memref<1x64xf32, #tpu.memory_space<vmem>>) target_semaphore(%arg7 : memref<!tpu.dma_semaphore, #tpu.memory_space<semaphore_mem>>)
      %slice3A_139 = vector.extract_strided_slice %get3A_41 {offsets = [8], sizes = [1], strides = [1]} : vector<16xi32> to vector<1xi32>
      %squeeze3A_140 = vector.extract %slice3A_139[0] : i32 from vector<1xi32>
      %add3A_141 = arith.constant 8 : i32
      %add3A_142 = arith.addi %add3A_45, %add3A_141 : i32
      %dma_start3A_143 = arith.constant 0 : i32
      %dma_start3A_144 = tpu.memref_slice %arg6[%add3A_142, %dma_start3A_143] : memref<512x64xf32, #tpu.memory_space<vmem>> -> memref<1x64xf32, #tpu.memory_space<vmem>>
      %dma_start3A_145 = arith.constant 0 : i32
      %dma_start3A_146 = tpu.memref_slice %arg3[%squeeze3A_140, %dma_start3A_145] : memref<1000000x64xf32, #tpu.memory_space<hbm>> -> memref<1x64xf32, #tpu.memory_space<hbm>>
      %dma_start3A_147 = arith.constant 0 : i32
      %dma_start3A_148 = tpu.memref_slice %arg6[%add3A_142, %dma_start3A_147] : memref<512x64xf32, #tpu.memory_space<vmem>> -> memref<1x64xf32, #tpu.memory_space<vmem>>
      %dma_start3A_149 = arith.constant 0 : i32
      %dma_start3A_150 = tpu.memref_slice %arg3[%squeeze3A_140, %dma_start3A_149] : memref<1000000x64xf32, #tpu.memory_space<hbm>> -> memref<1x64xf32, #tpu.memory_space<hbm>>
      tpu.enqueue_dma source(%dma_start3A_150 : memref<1x64xf32, #tpu.memory_space<hbm>>) target(%dma_start3A_148 : memref<1x64xf32, #tpu.memory_space<vmem>>) target_semaphore(%arg7 : memref<!tpu.dma_semaphore, #tpu.memory_space<semaphore_mem>>)
      %slice3A_151 = vector.extract_strided_slice %get3A_41 {offsets = [9], sizes = [1], strides = [1]} : vector<16xi32> to vector<1xi32>
      %squeeze3A_152 = vector.extract %slice3A_151[0] : i32 from vector<1xi32>
      %add3A_153 = arith.constant 9 : i32
      %add3A_154 = arith.addi %add3A_45, %add3A_153 : i32
      %dma_start3A_155 = arith.constant 0 : i32
      %dma_start3A_156 = tpu.memref_slice %arg6[%add3A_154, %dma_start3A_155] : memref<512x64xf32, #tpu.memory_space<vmem>> -> memref<1x64xf32, #tpu.memory_space<vmem>>
      %dma_start3A_157 = arith.constant 0 : i32
      %dma_start3A_158 = tpu.memref_slice %arg3[%squeeze3A_152, %dma_start3A_157] : memref<1000000x64xf32, #tpu.memory_space<hbm>> -> memref<1x64xf32, #tpu.memory_space<hbm>>
      %dma_start3A_159 = arith.constant 0 : i32
      %dma_start3A_160 = tpu.memref_slice %arg6[%add3A_154, %dma_start3A_159] : memref<512x64xf32, #tpu.memory_space<vmem>> -> memref<1x64xf32, #tpu.memory_space<vmem>>
      %dma_start3A_161 = arith.constant 0 : i32
      %dma_start3A_162 = tpu.memref_slice %arg3[%squeeze3A_152, %dma_start3A_161] : memref<1000000x64xf32, #tpu.memory_space<hbm>> -> memref<1x64xf32, #tpu.memory_space<hbm>>
      tpu.enqueue_dma source(%dma_start3A_162 : memref<1x64xf32, #tpu.memory_space<hbm>>) target(%dma_start3A_160 : memref<1x64xf32, #tpu.memory_space<vmem>>) target_semaphore(%arg7 : memref<!tpu.dma_semaphore, #tpu.memory_space<semaphore_mem>>)
      %slice3A_163 = vector.extract_strided_slice %get3A_41 {offsets = [10], sizes = [1], strides = [1]} : vector<16xi32> to vector<1xi32>
      %squeeze3A_164 = vector.extract %slice3A_163[0] : i32 from vector<1xi32>
      %add3A_165 = arith.constant 10 : i32
      %add3A_166 = arith.addi %add3A_45, %add3A_165 : i32
      %dma_start3A_167 = arith.constant 0 : i32
      %dma_start3A_168 = tpu.memref_slice %arg6[%add3A_166, %dma_start3A_167] : memref<512x64xf32, #tpu.memory_space<vmem>> -> memref<1x64xf32, #tpu.memory_space<vmem>>
      %dma_start3A_169 = arith.constant 0 : i32
      %dma_start3A_170 = tpu.memref_slice %arg3[%squeeze3A_164, %dma_start3A_169] : memref<1000000x64xf32, #tpu.memory_space<hbm>> -> memref<1x64xf32, #tpu.memory_space<hbm>>
      %dma_start3A_171 = arith.constant 0 : i32
      %dma_start3A_172 = tpu.memref_slice %arg6[%add3A_166, %dma_start3A_171] : memref<512x64xf32, #tpu.memory_space<vmem>> -> memref<1x64xf32, #tpu.memory_space<vmem>>
      %dma_start3A_173 = arith.constant 0 : i32
      %dma_start3A_174 = tpu.memref_slice %arg3[%squeeze3A_164, %dma_start3A_173] : memref<1000000x64xf32, #tpu.memory_space<hbm>> -> memref<1x64xf32, #tpu.memory_space<hbm>>
      tpu.enqueue_dma source(%dma_start3A_174 : memref<1x64xf32, #tpu.memory_space<hbm>>) target(%dma_start3A_172 : memref<1x64xf32, #tpu.memory_space<vmem>>) target_semaphore(%arg7 : memref<!tpu.dma_semaphore, #tpu.memory_space<semaphore_mem>>)
      %slice3A_175 = vector.extract_strided_slice %get3A_41 {offsets = [11], sizes = [1], strides = [1]} : vector<16xi32> to vector<1xi32>
      %squeeze3A_176 = vector.extract %slice3A_175[0] : i32 from vector<1xi32>
      %add3A_177 = arith.constant 11 : i32
      %add3A_178 = arith.addi %add3A_45, %add3A_177 : i32
      %dma_start3A_179 = arith.constant 0 : i32
      %dma_start3A_180 = tpu.memref_slice %arg6[%add3A_178, %dma_start3A_179] : memref<512x64xf32, #tpu.memory_space<vmem>> -> memref<1x64xf32, #tpu.memory_space<vmem>>
      %dma_start3A_181 = arith.constant 0 : i32
      %dma_start3A_182 = tpu.memref_slice %arg3[%squeeze3A_176, %dma_start3A_181] : memref<1000000x64xf32, #tpu.memory_space<hbm>> -> memref<1x64xf32, #tpu.memory_space<hbm>>
      %dma_start3A_183 = arith.constant 0 : i32
      %dma_start3A_184 = tpu.memref_slice %arg6[%add3A_178, %dma_start3A_183] : memref<512x64xf32, #tpu.memory_space<vmem>> -> memref<1x64xf32, #tpu.memory_space<vmem>>
      %dma_start3A_185 = arith.constant 0 : i32
      %dma_start3A_186 = tpu.memref_slice %arg3[%squeeze3A_176, %dma_start3A_185] : memref<1000000x64xf32, #tpu.memory_space<hbm>> -> memref<1x64xf32, #tpu.memory_space<hbm>>
      tpu.enqueue_dma source(%dma_start3A_186 : memref<1x64xf32, #tpu.memory_space<hbm>>) target(%dma_start3A_184 : memref<1x64xf32, #tpu.memory_space<vmem>>) target_semaphore(%arg7 : memref<!tpu.dma_semaphore, #tpu.memory_space<semaphore_mem>>)
      %slice3A_187 = vector.extract_strided_slice %get3A_41 {offsets = [12], sizes = [1], strides = [1]} : vector<16xi32> to vector<1xi32>
      %squeeze3A_188 = vector.extract %slice3A_187[0] : i32 from vector<1xi32>
      %add3A_189 = arith.constant 12 : i32
      %add3A_190 = arith.addi %add3A_45, %add3A_189 : i32
      %dma_start3A_191 = arith.constant 0 : i32
      %dma_start3A_192 = tpu.memref_slice %arg6[%add3A_190, %dma_start3A_191] : memref<512x64xf32, #tpu.memory_space<vmem>> -> memref<1x64xf32, #tpu.memory_space<vmem>>
      %dma_start3A_193 = arith.constant 0 : i32
      %dma_start3A_194 = tpu.memref_slice %arg3[%squeeze3A_188, %dma_start3A_193] : memref<1000000x64xf32, #tpu.memory_space<hbm>> -> memref<1x64xf32, #tpu.memory_space<hbm>>
      %dma_start3A_195 = arith.constant 0 : i32
      %dma_start3A_196 = tpu.memref_slice %arg6[%add3A_190, %dma_start3A_195] : memref<512x64xf32, #tpu.memory_space<vmem>> -> memref<1x64xf32, #tpu.memory_space<vmem>>
      %dma_start3A_197 = arith.constant 0 : i32
      %dma_start3A_198 = tpu.memref_slice %arg3[%squeeze3A_188, %dma_start3A_197] : memref<1000000x64xf32, #tpu.memory_space<hbm>> -> memref<1x64xf32, #tpu.memory_space<hbm>>
      tpu.enqueue_dma source(%dma_start3A_198 : memref<1x64xf32, #tpu.memory_space<hbm>>) target(%dma_start3A_196 : memref<1x64xf32, #tpu.memory_space<vmem>>) target_semaphore(%arg7 : memref<!tpu.dma_semaphore, #tpu.memory_space<semaphore_mem>>)
      %slice3A_199 = vector.extract_strided_slice %get3A_41 {offsets = [13], sizes = [1], strides = [1]} : vector<16xi32> to vector<1xi32>
      %squeeze3A_200 = vector.extract %slice3A_199[0] : i32 from vector<1xi32>
      %add3A_201 = arith.constant 13 : i32
      %add3A_202 = arith.addi %add3A_45, %add3A_201 : i32
      %dma_start3A_203 = arith.constant 0 : i32
      %dma_start3A_204 = tpu.memref_slice %arg6[%add3A_202, %dma_start3A_203] : memref<512x64xf32, #tpu.memory_space<vmem>> -> memref<1x64xf32, #tpu.memory_space<vmem>>
      %dma_start3A_205 = arith.constant 0 : i32
      %dma_start3A_206 = tpu.memref_slice %arg3[%squeeze3A_200, %dma_start3A_205] : memref<1000000x64xf32, #tpu.memory_space<hbm>> -> memref<1x64xf32, #tpu.memory_space<hbm>>
      %dma_start3A_207 = arith.constant 0 : i32
      %dma_start3A_208 = tpu.memref_slice %arg6[%add3A_202, %dma_start3A_207] : memref<512x64xf32, #tpu.memory_space<vmem>> -> memref<1x64xf32, #tpu.memory_space<vmem>>
      %dma_start3A_209 = arith.constant 0 : i32
      %dma_start3A_210 = tpu.memref_slice %arg3[%squeeze3A_200, %dma_start3A_209] : memref<1000000x64xf32, #tpu.memory_space<hbm>> -> memref<1x64xf32, #tpu.memory_space<hbm>>
      tpu.enqueue_dma source(%dma_start3A_210 : memref<1x64xf32, #tpu.memory_space<hbm>>) target(%dma_start3A_208 : memref<1x64xf32, #tpu.memory_space<vmem>>) target_semaphore(%arg7 : memref<!tpu.dma_semaphore, #tpu.memory_space<semaphore_mem>>)
      %slice3A_211 = vector.extract_strided_slice %get3A_41 {offsets = [14], sizes = [1], strides = [1]} : vector<16xi32> to vector<1xi32>
      %squeeze3A_212 = vector.extract %slice3A_211[0] : i32 from vector<1xi32>
      %add3A_213 = arith.constant 14 : i32
      %add3A_214 = arith.addi %add3A_45, %add3A_213 : i32
      %dma_start3A_215 = arith.constant 0 : i32
      %dma_start3A_216 = tpu.memref_slice %arg6[%add3A_214, %dma_start3A_215] : memref<512x64xf32, #tpu.memory_space<vmem>> -> memref<1x64xf32, #tpu.memory_space<vmem>>
      %dma_start3A_217 = arith.constant 0 : i32
      %dma_start3A_218 = tpu.memref_slice %arg3[%squeeze3A_212, %dma_start3A_217] : memref<1000000x64xf32, #tpu.memory_space<hbm>> -> memref<1x64xf32, #tpu.memory_space<hbm>>
      %dma_start3A_219 = arith.constant 0 : i32
      %dma_start3A_220 = tpu.memref_slice %arg6[%add3A_214, %dma_start3A_219] : memref<512x64xf32, #tpu.memory_space<vmem>> -> memref<1x64xf32, #tpu.memory_space<vmem>>
      %dma_start3A_221 = arith.constant 0 : i32
      %dma_start3A_222 = tpu.memref_slice %arg3[%squeeze3A_212, %dma_start3A_221] : memref<1000000x64xf32, #tpu.memory_space<hbm>> -> memref<1x64xf32, #tpu.memory_space<hbm>>
      tpu.enqueue_dma source(%dma_start3A_222 : memref<1x64xf32, #tpu.memory_space<hbm>>) target(%dma_start3A_220 : memref<1x64xf32, #tpu.memory_space<vmem>>) target_semaphore(%arg7 : memref<!tpu.dma_semaphore, #tpu.memory_space<semaphore_mem>>)
      %slice3A_223 = vector.extract_strided_slice %get3A_41 {offsets = [15], sizes = [1], strides = [1]} : vector<16xi32> to vector<1xi32>
      %squeeze3A_224 = vector.extract %slice3A_223[0] : i32 from vector<1xi32>
      %add3A_225 = arith.constant 15 : i32
      %add3A_226 = arith.addi %add3A_45, %add3A_225 : i32
      %dma_start3A_227 = arith.constant 0 : i32
      %dma_start3A_228 = tpu.memref_slice %arg6[%add3A_226, %dma_start3A_227] : memref<512x64xf32, #tpu.memory_space<vmem>> -> memref<1x64xf32, #tpu.memory_space<vmem>>
      %dma_start3A_229 = arith.constant 0 : i32
      %dma_start3A_230 = tpu.memref_slice %arg3[%squeeze3A_224, %dma_start3A_229] : memref<1000000x64xf32, #tpu.memory_space<hbm>> -> memref<1x64xf32, #tpu.memory_space<hbm>>
      %dma_start3A_231 = arith.constant 0 : i32
      %dma_start3A_232 = tpu.memref_slice %arg6[%add3A_226, %dma_start3A_231] : memref<512x64xf32, #tpu.memory_space<vmem>> -> memref<1x64xf32, #tpu.memory_space<vmem>>
      %dma_start3A_233 = arith.constant 0 : i32
      %dma_start3A_234 = tpu.memref_slice %arg3[%squeeze3A_224, %dma_start3A_233] : memref<1000000x64xf32, #tpu.memory_space<hbm>> -> memref<1x64xf32, #tpu.memory_space<hbm>>
      tpu.enqueue_dma source(%dma_start3A_234 : memref<1x64xf32, #tpu.memory_space<hbm>>) target(%dma_start3A_232 : memref<1x64xf32, #tpu.memory_space<vmem>>) target_semaphore(%arg7 : memref<!tpu.dma_semaphore, #tpu.memory_space<semaphore_mem>>)
      %scan3A_235 = arith.constant 0 : i32
      scf.yield %scan3A_235 : i32
    }
    %scan3A_22 = arith.constant 8 : i32
    %scan3A_23 = arith.constant 0 : i32
    %scan3A_24 = arith.constant 0 : i32
    %scan3A_25 = arith.constant 8 : i32
    %scan3A_26 = arith.addi %scan3A_24, %scan3A_25 : i32
    %scan3A_27 = arith.constant 1 : i32
    %scan3A_28 = scf.for %scan3A_35 = %scan3A_24 to %scan3A_26 step %scan3A_27 iter_args(%scan3A_36 = %scan3A_23) -> (i32)  : i32 {
      %mul3A_37 = arith.constant 16 : i32
      %mul3A_38 = arith.muli %scan3A_35, %mul3A_37 : i32
      %get3A = arith.constant 3 : i32
      %get3A_39 = arith.index_cast %get3A : i32 to index
      %get3A_40 = arith.index_cast %mul3A_38 : i32 to index
      %get3A_41 = tpu.vector_load %arg5[%get3A_39, %get3A_40] {strides = array<i32>} : memref<4x128xi32, #tpu.memory_space<vmem>>, vector<16xi32>,
      %mul3A_42 = arith.constant 16 : i32
      %mul3A_43 = arith.muli %scan3A_35, %mul3A_42 : i32
      %add3A_44 = arith.constant 384 : i32
      %add3A_45 = arith.addi %add3A_44, %mul3A_43 : i32
      %slice3A = vector.extract_strided_slice %get3A_41 {offsets = [0], sizes = [1], strides = [1]} : vector<16xi32> to vector<1xi32>
      %squeeze3A = vector.extract %slice3A[0] : i32 from vector<1xi32>
      %add3A_46 = arith.constant 0 : i32
      %add3A_47 = arith.addi %add3A_45, %add3A_46 : i32
      %dma_start3A = arith.constant 0 : i32
      %dma_start3A_48 = tpu.memref_slice %arg6[%add3A_47, %dma_start3A] : memref<512x64xf32, #tpu.memory_space<vmem>> -> memref<1x64xf32, #tpu.memory_space<vmem>>
      %dma_start3A_49 = arith.constant 0 : i32
      %dma_start3A_50 = tpu.memref_slice %arg3[%squeeze3A, %dma_start3A_49] : memref<1000000x64xf32, #tpu.memory_space<hbm>> -> memref<1x64xf32, #tpu.memory_space<hbm>>
      %dma_start3A_51 = arith.constant 0 : i32
      %dma_start3A_52 = tpu.memref_slice %arg6[%add3A_47, %dma_start3A_51] : memref<512x64xf32, #tpu.memory_space<vmem>> -> memref<1x64xf32, #tpu.memory_space<vmem>>
      %dma_start3A_53 = arith.constant 0 : i32
      %dma_start3A_54 = tpu.memref_slice %arg3[%squeeze3A, %dma_start3A_53] : memref<1000000x64xf32, #tpu.memory_space<hbm>> -> memref<1x64xf32, #tpu.memory_space<hbm>>
      tpu.enqueue_dma source(%dma_start3A_54 : memref<1x64xf32, #tpu.memory_space<hbm>>) target(%dma_start3A_52 : memref<1x64xf32, #tpu.memory_space<vmem>>) target_semaphore(%arg7 : memref<!tpu.dma_semaphore, #tpu.memory_space<semaphore_mem>>)
      %slice3A_55 = vector.extract_strided_slice %get3A_41 {offsets = [1], sizes = [1], strides = [1]} : vector<16xi32> to vector<1xi32>
      %squeeze3A_56 = vector.extract %slice3A_55[0] : i32 from vector<1xi32>
      %add3A_57 = arith.constant 1 : i32
      %add3A_58 = arith.addi %add3A_45, %add3A_57 : i32
      %dma_start3A_59 = arith.constant 0 : i32
      %dma_start3A_60 = tpu.memref_slice %arg6[%add3A_58, %dma_start3A_59] : memref<512x64xf32, #tpu.memory_space<vmem>> -> memref<1x64xf32, #tpu.memory_space<vmem>>
      %dma_start3A_61 = arith.constant 0 : i32
      %dma_start3A_62 = tpu.memref_slice %arg3[%squeeze3A_56, %dma_start3A_61] : memref<1000000x64xf32, #tpu.memory_space<hbm>> -> memref<1x64xf32, #tpu.memory_space<hbm>>
      %dma_start3A_63 = arith.constant 0 : i32
      %dma_start3A_64 = tpu.memref_slice %arg6[%add3A_58, %dma_start3A_63] : memref<512x64xf32, #tpu.memory_space<vmem>> -> memref<1x64xf32, #tpu.memory_space<vmem>>
      %dma_start3A_65 = arith.constant 0 : i32
      %dma_start3A_66 = tpu.memref_slice %arg3[%squeeze3A_56, %dma_start3A_65] : memref<1000000x64xf32, #tpu.memory_space<hbm>> -> memref<1x64xf32, #tpu.memory_space<hbm>>
      tpu.enqueue_dma source(%dma_start3A_66 : memref<1x64xf32, #tpu.memory_space<hbm>>) target(%dma_start3A_64 : memref<1x64xf32, #tpu.memory_space<vmem>>) target_semaphore(%arg7 : memref<!tpu.dma_semaphore, #tpu.memory_space<semaphore_mem>>)
      %slice3A_67 = vector.extract_strided_slice %get3A_41 {offsets = [2], sizes = [1], strides = [1]} : vector<16xi32> to vector<1xi32>
      %squeeze3A_68 = vector.extract %slice3A_67[0] : i32 from vector<1xi32>
      %add3A_69 = arith.constant 2 : i32
      %add3A_70 = arith.addi %add3A_45, %add3A_69 : i32
      %dma_start3A_71 = arith.constant 0 : i32
      %dma_start3A_72 = tpu.memref_slice %arg6[%add3A_70, %dma_start3A_71] : memref<512x64xf32, #tpu.memory_space<vmem>> -> memref<1x64xf32, #tpu.memory_space<vmem>>
      %dma_start3A_73 = arith.constant 0 : i32
      %dma_start3A_74 = tpu.memref_slice %arg3[%squeeze3A_68, %dma_start3A_73] : memref<1000000x64xf32, #tpu.memory_space<hbm>> -> memref<1x64xf32, #tpu.memory_space<hbm>>
      %dma_start3A_75 = arith.constant 0 : i32
      %dma_start3A_76 = tpu.memref_slice %arg6[%add3A_70, %dma_start3A_75] : memref<512x64xf32, #tpu.memory_space<vmem>> -> memref<1x64xf32, #tpu.memory_space<vmem>>
      %dma_start3A_77 = arith.constant 0 : i32
      %dma_start3A_78 = tpu.memref_slice %arg3[%squeeze3A_68, %dma_start3A_77] : memref<1000000x64xf32, #tpu.memory_space<hbm>> -> memref<1x64xf32, #tpu.memory_space<hbm>>
      tpu.enqueue_dma source(%dma_start3A_78 : memref<1x64xf32, #tpu.memory_space<hbm>>) target(%dma_start3A_76 : memref<1x64xf32, #tpu.memory_space<vmem>>) target_semaphore(%arg7 : memref<!tpu.dma_semaphore, #tpu.memory_space<semaphore_mem>>)
      %slice3A_79 = vector.extract_strided_slice %get3A_41 {offsets = [3], sizes = [1], strides = [1]} : vector<16xi32> to vector<1xi32>
      %squeeze3A_80 = vector.extract %slice3A_79[0] : i32 from vector<1xi32>
      %add3A_81 = arith.constant 3 : i32
      %add3A_82 = arith.addi %add3A_45, %add3A_81 : i32
      %dma_start3A_83 = arith.constant 0 : i32
      %dma_start3A_84 = tpu.memref_slice %arg6[%add3A_82, %dma_start3A_83] : memref<512x64xf32, #tpu.memory_space<vmem>> -> memref<1x64xf32, #tpu.memory_space<vmem>>
      %dma_start3A_85 = arith.constant 0 : i32
      %dma_start3A_86 = tpu.memref_slice %arg3[%squeeze3A_80, %dma_start3A_85] : memref<1000000x64xf32, #tpu.memory_space<hbm>> -> memref<1x64xf32, #tpu.memory_space<hbm>>
      %dma_start3A_87 = arith.constant 0 : i32
      %dma_start3A_88 = tpu.memref_slice %arg6[%add3A_82, %dma_start3A_87] : memref<512x64xf32, #tpu.memory_space<vmem>> -> memref<1x64xf32, #tpu.memory_space<vmem>>
      %dma_start3A_89 = arith.constant 0 : i32
      %dma_start3A_90 = tpu.memref_slice %arg3[%squeeze3A_80, %dma_start3A_89] : memref<1000000x64xf32, #tpu.memory_space<hbm>> -> memref<1x64xf32, #tpu.memory_space<hbm>>
      tpu.enqueue_dma source(%dma_start3A_90 : memref<1x64xf32, #tpu.memory_space<hbm>>) target(%dma_start3A_88 : memref<1x64xf32, #tpu.memory_space<vmem>>) target_semaphore(%arg7 : memref<!tpu.dma_semaphore, #tpu.memory_space<semaphore_mem>>)
      %slice3A_91 = vector.extract_strided_slice %get3A_41 {offsets = [4], sizes = [1], strides = [1]} : vector<16xi32> to vector<1xi32>
      %squeeze3A_92 = vector.extract %slice3A_91[0] : i32 from vector<1xi32>
      %add3A_93 = arith.constant 4 : i32
      %add3A_94 = arith.addi %add3A_45, %add3A_93 : i32
      %dma_start3A_95 = arith.constant 0 : i32
      %dma_start3A_96 = tpu.memref_slice %arg6[%add3A_94, %dma_start3A_95] : memref<512x64xf32, #tpu.memory_space<vmem>> -> memref<1x64xf32, #tpu.memory_space<vmem>>
      %dma_start3A_97 = arith.constant 0 : i32
      %dma_start3A_98 = tpu.memref_slice %arg3[%squeeze3A_92, %dma_start3A_97] : memref<1000000x64xf32, #tpu.memory_space<hbm>> -> memref<1x64xf32, #tpu.memory_space<hbm>>
      %dma_start3A_99 = arith.constant 0 : i32
      %dma_start3A_100 = tpu.memref_slice %arg6[%add3A_94, %dma_start3A_99] : memref<512x64xf32, #tpu.memory_space<vmem>> -> memref<1x64xf32, #tpu.memory_space<vmem>>
      %dma_start3A_101 = arith.constant 0 : i32
      %dma_start3A_102 = tpu.memref_slice %arg3[%squeeze3A_92, %dma_start3A_101] : memref<1000000x64xf32, #tpu.memory_space<hbm>> -> memref<1x64xf32, #tpu.memory_space<hbm>>
      tpu.enqueue_dma source(%dma_start3A_102 : memref<1x64xf32, #tpu.memory_space<hbm>>) target(%dma_start3A_100 : memref<1x64xf32, #tpu.memory_space<vmem>>) target_semaphore(%arg7 : memref<!tpu.dma_semaphore, #tpu.memory_space<semaphore_mem>>)
      %slice3A_103 = vector.extract_strided_slice %get3A_41 {offsets = [5], sizes = [1], strides = [1]} : vector<16xi32> to vector<1xi32>
      %squeeze3A_104 = vector.extract %slice3A_103[0] : i32 from vector<1xi32>
      %add3A_105 = arith.constant 5 : i32
      %add3A_106 = arith.addi %add3A_45, %add3A_105 : i32
      %dma_start3A_107 = arith.constant 0 : i32
      %dma_start3A_108 = tpu.memref_slice %arg6[%add3A_106, %dma_start3A_107] : memref<512x64xf32, #tpu.memory_space<vmem>> -> memref<1x64xf32, #tpu.memory_space<vmem>>
      %dma_start3A_109 = arith.constant 0 : i32
      %dma_start3A_110 = tpu.memref_slice %arg3[%squeeze3A_104, %dma_start3A_109] : memref<1000000x64xf32, #tpu.memory_space<hbm>> -> memref<1x64xf32, #tpu.memory_space<hbm>>
      %dma_start3A_111 = arith.constant 0 : i32
      %dma_start3A_112 = tpu.memref_slice %arg6[%add3A_106, %dma_start3A_111] : memref<512x64xf32, #tpu.memory_space<vmem>> -> memref<1x64xf32, #tpu.memory_space<vmem>>
      %dma_start3A_113 = arith.constant 0 : i32
      %dma_start3A_114 = tpu.memref_slice %arg3[%squeeze3A_104, %dma_start3A_113] : memref<1000000x64xf32, #tpu.memory_space<hbm>> -> memref<1x64xf32, #tpu.memory_space<hbm>>
      tpu.enqueue_dma source(%dma_start3A_114 : memref<1x64xf32, #tpu.memory_space<hbm>>) target(%dma_start3A_112 : memref<1x64xf32, #tpu.memory_space<vmem>>) target_semaphore(%arg7 : memref<!tpu.dma_semaphore, #tpu.memory_space<semaphore_mem>>)
      %slice3A_115 = vector.extract_strided_slice %get3A_41 {offsets = [6], sizes = [1], strides = [1]} : vector<16xi32> to vector<1xi32>
      %squeeze3A_116 = vector.extract %slice3A_115[0] : i32 from vector<1xi32>
      %add3A_117 = arith.constant 6 : i32
      %add3A_118 = arith.addi %add3A_45, %add3A_117 : i32
      %dma_start3A_119 = arith.constant 0 : i32
      %dma_start3A_120 = tpu.memref_slice %arg6[%add3A_118, %dma_start3A_119] : memref<512x64xf32, #tpu.memory_space<vmem>> -> memref<1x64xf32, #tpu.memory_space<vmem>>
      %dma_start3A_121 = arith.constant 0 : i32
      %dma_start3A_122 = tpu.memref_slice %arg3[%squeeze3A_116, %dma_start3A_121] : memref<1000000x64xf32, #tpu.memory_space<hbm>> -> memref<1x64xf32, #tpu.memory_space<hbm>>
      %dma_start3A_123 = arith.constant 0 : i32
      %dma_start3A_124 = tpu.memref_slice %arg6[%add3A_118, %dma_start3A_123] : memref<512x64xf32, #tpu.memory_space<vmem>> -> memref<1x64xf32, #tpu.memory_space<vmem>>
      %dma_start3A_125 = arith.constant 0 : i32
      %dma_start3A_126 = tpu.memref_slice %arg3[%squeeze3A_116, %dma_start3A_125] : memref<1000000x64xf32, #tpu.memory_space<hbm>> -> memref<1x64xf32, #tpu.memory_space<hbm>>
      tpu.enqueue_dma source(%dma_start3A_126 : memref<1x64xf32, #tpu.memory_space<hbm>>) target(%dma_start3A_124 : memref<1x64xf32, #tpu.memory_space<vmem>>) target_semaphore(%arg7 : memref<!tpu.dma_semaphore, #tpu.memory_space<semaphore_mem>>)
      %slice3A_127 = vector.extract_strided_slice %get3A_41 {offsets = [7], sizes = [1], strides = [1]} : vector<16xi32> to vector<1xi32>
      %squeeze3A_128 = vector.extract %slice3A_127[0] : i32 from vector<1xi32>
      %add3A_129 = arith.constant 7 : i32
      %add3A_130 = arith.addi %add3A_45, %add3A_129 : i32
      %dma_start3A_131 = arith.constant 0 : i32
      %dma_start3A_132 = tpu.memref_slice %arg6[%add3A_130, %dma_start3A_131] : memref<512x64xf32, #tpu.memory_space<vmem>> -> memref<1x64xf32, #tpu.memory_space<vmem>>
      %dma_start3A_133 = arith.constant 0 : i32
      %dma_start3A_134 = tpu.memref_slice %arg3[%squeeze3A_128, %dma_start3A_133] : memref<1000000x64xf32, #tpu.memory_space<hbm>> -> memref<1x64xf32, #tpu.memory_space<hbm>>
      %dma_start3A_135 = arith.constant 0 : i32
      %dma_start3A_136 = tpu.memref_slice %arg6[%add3A_130, %dma_start3A_135] : memref<512x64xf32, #tpu.memory_space<vmem>> -> memref<1x64xf32, #tpu.memory_space<vmem>>
      %dma_start3A_137 = arith.constant 0 : i32
      %dma_start3A_138 = tpu.memref_slice %arg3[%squeeze3A_128, %dma_start3A_137] : memref<1000000x64xf32, #tpu.memory_space<hbm>> -> memref<1x64xf32, #tpu.memory_space<hbm>>
      tpu.enqueue_dma source(%dma_start3A_138 : memref<1x64xf32, #tpu.memory_space<hbm>>) target(%dma_start3A_136 : memref<1x64xf32, #tpu.memory_space<vmem>>) target_semaphore(%arg7 : memref<!tpu.dma_semaphore, #tpu.memory_space<semaphore_mem>>)
      %slice3A_139 = vector.extract_strided_slice %get3A_41 {offsets = [8], sizes = [1], strides = [1]} : vector<16xi32> to vector<1xi32>
      %squeeze3A_140 = vector.extract %slice3A_139[0] : i32 from vector<1xi32>
      %add3A_141 = arith.constant 8 : i32
      %add3A_142 = arith.addi %add3A_45, %add3A_141 : i32
      %dma_start3A_143 = arith.constant 0 : i32
      %dma_start3A_144 = tpu.memref_slice %arg6[%add3A_142, %dma_start3A_143] : memref<512x64xf32, #tpu.memory_space<vmem>> -> memref<1x64xf32, #tpu.memory_space<vmem>>
      %dma_start3A_145 = arith.constant 0 : i32
      %dma_start3A_146 = tpu.memref_slice %arg3[%squeeze3A_140, %dma_start3A_145] : memref<1000000x64xf32, #tpu.memory_space<hbm>> -> memref<1x64xf32, #tpu.memory_space<hbm>>
      %dma_start3A_147 = arith.constant 0 : i32
      %dma_start3A_148 = tpu.memref_slice %arg6[%add3A_142, %dma_start3A_147] : memref<512x64xf32, #tpu.memory_space<vmem>> -> memref<1x64xf32, #tpu.memory_space<vmem>>
      %dma_start3A_149 = arith.constant 0 : i32
      %dma_start3A_150 = tpu.memref_slice %arg3[%squeeze3A_140, %dma_start3A_149] : memref<1000000x64xf32, #tpu.memory_space<hbm>> -> memref<1x64xf32, #tpu.memory_space<hbm>>
      tpu.enqueue_dma source(%dma_start3A_150 : memref<1x64xf32, #tpu.memory_space<hbm>>) target(%dma_start3A_148 : memref<1x64xf32, #tpu.memory_space<vmem>>) target_semaphore(%arg7 : memref<!tpu.dma_semaphore, #tpu.memory_space<semaphore_mem>>)
      %slice3A_151 = vector.extract_strided_slice %get3A_41 {offsets = [9], sizes = [1], strides = [1]} : vector<16xi32> to vector<1xi32>
      %squeeze3A_152 = vector.extract %slice3A_151[0] : i32 from vector<1xi32>
      %add3A_153 = arith.constant 9 : i32
      %add3A_154 = arith.addi %add3A_45, %add3A_153 : i32
      %dma_start3A_155 = arith.constant 0 : i32
      %dma_start3A_156 = tpu.memref_slice %arg6[%add3A_154, %dma_start3A_155] : memref<512x64xf32, #tpu.memory_space<vmem>> -> memref<1x64xf32, #tpu.memory_space<vmem>>
      %dma_start3A_157 = arith.constant 0 : i32
      %dma_start3A_158 = tpu.memref_slice %arg3[%squeeze3A_152, %dma_start3A_157] : memref<1000000x64xf32, #tpu.memory_space<hbm>> -> memref<1x64xf32, #tpu.memory_space<hbm>>
      %dma_start3A_159 = arith.constant 0 : i32
      %dma_start3A_160 = tpu.memref_slice %arg6[%add3A_154, %dma_start3A_159] : memref<512x64xf32, #tpu.memory_space<vmem>> -> memref<1x64xf32, #tpu.memory_space<vmem>>
      %dma_start3A_161 = arith.constant 0 : i32
      %dma_start3A_162 = tpu.memref_slice %arg3[%squeeze3A_152, %dma_start3A_161] : memref<1000000x64xf32, #tpu.memory_space<hbm>> -> memref<1x64xf32, #tpu.memory_space<hbm>>
      tpu.enqueue_dma source(%dma_start3A_162 : memref<1x64xf32, #tpu.memory_space<hbm>>) target(%dma_start3A_160 : memref<1x64xf32, #tpu.memory_space<vmem>>) target_semaphore(%arg7 : memref<!tpu.dma_semaphore, #tpu.memory_space<semaphore_mem>>)
      %slice3A_163 = vector.extract_strided_slice %get3A_41 {offsets = [10], sizes = [1], strides = [1]} : vector<16xi32> to vector<1xi32>
      %squeeze3A_164 = vector.extract %slice3A_163[0] : i32 from vector<1xi32>
      %add3A_165 = arith.constant 10 : i32
      %add3A_166 = arith.addi %add3A_45, %add3A_165 : i32
      %dma_start3A_167 = arith.constant 0 : i32
      %dma_start3A_168 = tpu.memref_slice %arg6[%add3A_166, %dma_start3A_167] : memref<512x64xf32, #tpu.memory_space<vmem>> -> memref<1x64xf32, #tpu.memory_space<vmem>>
      %dma_start3A_169 = arith.constant 0 : i32
      %dma_start3A_170 = tpu.memref_slice %arg3[%squeeze3A_164, %dma_start3A_169] : memref<1000000x64xf32, #tpu.memory_space<hbm>> -> memref<1x64xf32, #tpu.memory_space<hbm>>
      %dma_start3A_171 = arith.constant 0 : i32
      %dma_start3A_172 = tpu.memref_slice %arg6[%add3A_166, %dma_start3A_171] : memref<512x64xf32, #tpu.memory_space<vmem>> -> memref<1x64xf32, #tpu.memory_space<vmem>>
      %dma_start3A_173 = arith.constant 0 : i32
      %dma_start3A_174 = tpu.memref_slice %arg3[%squeeze3A_164, %dma_start3A_173] : memref<1000000x64xf32, #tpu.memory_space<hbm>> -> memref<1x64xf32, #tpu.memory_space<hbm>>
      tpu.enqueue_dma source(%dma_start3A_174 : memref<1x64xf32, #tpu.memory_space<hbm>>) target(%dma_start3A_172 : memref<1x64xf32, #tpu.memory_space<vmem>>) target_semaphore(%arg7 : memref<!tpu.dma_semaphore, #tpu.memory_space<semaphore_mem>>)
      %slice3A_175 = vector.extract_strided_slice %get3A_41 {offsets = [11], sizes = [1], strides = [1]} : vector<16xi32> to vector<1xi32>
      %squeeze3A_176 = vector.extract %slice3A_175[0] : i32 from vector<1xi32>
      %add3A_177 = arith.constant 11 : i32
      %add3A_178 = arith.addi %add3A_45, %add3A_177 : i32
      %dma_start3A_179 = arith.constant 0 : i32
      %dma_start3A_180 = tpu.memref_slice %arg6[%add3A_178, %dma_start3A_179] : memref<512x64xf32, #tpu.memory_space<vmem>> -> memref<1x64xf32, #tpu.memory_space<vmem>>
      %dma_start3A_181 = arith.constant 0 : i32
      %dma_start3A_182 = tpu.memref_slice %arg3[%squeeze3A_176, %dma_start3A_181] : memref<1000000x64xf32, #tpu.memory_space<hbm>> -> memref<1x64xf32, #tpu.memory_space<hbm>>
      %dma_start3A_183 = arith.constant 0 : i32
      %dma_start3A_184 = tpu.memref_slice %arg6[%add3A_178, %dma_start3A_183] : memref<512x64xf32, #tpu.memory_space<vmem>> -> memref<1x64xf32, #tpu.memory_space<vmem>>
      %dma_start3A_185 = arith.constant 0 : i32
      %dma_start3A_186 = tpu.memref_slice %arg3[%squeeze3A_176, %dma_start3A_185] : memref<1000000x64xf32, #tpu.memory_space<hbm>> -> memref<1x64xf32, #tpu.memory_space<hbm>>
      tpu.enqueue_dma source(%dma_start3A_186 : memref<1x64xf32, #tpu.memory_space<hbm>>) target(%dma_start3A_184 : memref<1x64xf32, #tpu.memory_space<vmem>>) target_semaphore(%arg7 : memref<!tpu.dma_semaphore, #tpu.memory_space<semaphore_mem>>)
      %slice3A_187 = vector.extract_strided_slice %get3A_41 {offsets = [12], sizes = [1], strides = [1]} : vector<16xi32> to vector<1xi32>
      %squeeze3A_188 = vector.extract %slice3A_187[0] : i32 from vector<1xi32>
      %add3A_189 = arith.constant 12 : i32
      %add3A_190 = arith.addi %add3A_45, %add3A_189 : i32
      %dma_start3A_191 = arith.constant 0 : i32
      %dma_start3A_192 = tpu.memref_slice %arg6[%add3A_190, %dma_start3A_191] : memref<512x64xf32, #tpu.memory_space<vmem>> -> memref<1x64xf32, #tpu.memory_space<vmem>>
      %dma_start3A_193 = arith.constant 0 : i32
      %dma_start3A_194 = tpu.memref_slice %arg3[%squeeze3A_188, %dma_start3A_193] : memref<1000000x64xf32, #tpu.memory_space<hbm>> -> memref<1x64xf32, #tpu.memory_space<hbm>>
      %dma_start3A_195 = arith.constant 0 : i32
      %dma_start3A_196 = tpu.memref_slice %arg6[%add3A_190, %dma_start3A_195] : memref<512x64xf32, #tpu.memory_space<vmem>> -> memref<1x64xf32, #tpu.memory_space<vmem>>
      %dma_start3A_197 = arith.constant 0 : i32
      %dma_start3A_198 = tpu.memref_slice %arg3[%squeeze3A_188, %dma_start3A_197] : memref<1000000x64xf32, #tpu.memory_space<hbm>> -> memref<1x64xf32, #tpu.memory_space<hbm>>
      tpu.enqueue_dma source(%dma_start3A_198 : memref<1x64xf32, #tpu.memory_space<hbm>>) target(%dma_start3A_196 : memref<1x64xf32, #tpu.memory_space<vmem>>) target_semaphore(%arg7 : memref<!tpu.dma_semaphore, #tpu.memory_space<semaphore_mem>>)
      %slice3A_199 = vector.extract_strided_slice %get3A_41 {offsets = [13], sizes = [1], strides = [1]} : vector<16xi32> to vector<1xi32>
      %squeeze3A_200 = vector.extract %slice3A_199[0] : i32 from vector<1xi32>
      %add3A_201 = arith.constant 13 : i32
      %add3A_202 = arith.addi %add3A_45, %add3A_201 : i32
      %dma_start3A_203 = arith.constant 0 : i32
      %dma_start3A_204 = tpu.memref_slice %arg6[%add3A_202, %dma_start3A_203] : memref<512x64xf32, #tpu.memory_space<vmem>> -> memref<1x64xf32, #tpu.memory_space<vmem>>
      %dma_start3A_205 = arith.constant 0 : i32
      %dma_start3A_206 = tpu.memref_slice %arg3[%squeeze3A_200, %dma_start3A_205] : memref<1000000x64xf32, #tpu.memory_space<hbm>> -> memref<1x64xf32, #tpu.memory_space<hbm>>
      %dma_start3A_207 = arith.constant 0 : i32
      %dma_start3A_208 = tpu.memref_slice %arg6[%add3A_202, %dma_start3A_207] : memref<512x64xf32, #tpu.memory_space<vmem>> -> memref<1x64xf32, #tpu.memory_space<vmem>>
      %dma_start3A_209 = arith.constant 0 : i32
      %dma_start3A_210 = tpu.memref_slice %arg3[%squeeze3A_200, %dma_start3A_209] : memref<1000000x64xf32, #tpu.memory_space<hbm>> -> memref<1x64xf32, #tpu.memory_space<hbm>>
      tpu.enqueue_dma source(%dma_start3A_210 : memref<1x64xf32, #tpu.memory_space<hbm>>) target(%dma_start3A_208 : memref<1x64xf32, #tpu.memory_space<vmem>>) target_semaphore(%arg7 : memref<!tpu.dma_semaphore, #tpu.memory_space<semaphore_mem>>)
      %slice3A_211 = vector.extract_strided_slice %get3A_41 {offsets = [14], sizes = [1], strides = [1]} : vector<16xi32> to vector<1xi32>
      %squeeze3A_212 = vector.extract %slice3A_211[0] : i32 from vector<1xi32>
      %add3A_213 = arith.constant 14 : i32
      %add3A_214 = arith.addi %add3A_45, %add3A_213 : i32
      %dma_start3A_215 = arith.constant 0 : i32
      %dma_start3A_216 = tpu.memref_slice %arg6[%add3A_214, %dma_start3A_215] : memref<512x64xf32, #tpu.memory_space<vmem>> -> memref<1x64xf32, #tpu.memory_space<vmem>>
      %dma_start3A_217 = arith.constant 0 : i32
      %dma_start3A_218 = tpu.memref_slice %arg3[%squeeze3A_212, %dma_start3A_217] : memref<1000000x64xf32, #tpu.memory_space<hbm>> -> memref<1x64xf32, #tpu.memory_space<hbm>>
      %dma_start3A_219 = arith.constant 0 : i32
      %dma_start3A_220 = tpu.memref_slice %arg6[%add3A_214, %dma_start3A_219] : memref<512x64xf32, #tpu.memory_space<vmem>> -> memref<1x64xf32, #tpu.memory_space<vmem>>
      %dma_start3A_221 = arith.constant 0 : i32
      %dma_start3A_222 = tpu.memref_slice %arg3[%squeeze3A_212, %dma_start3A_221] : memref<1000000x64xf32, #tpu.memory_space<hbm>> -> memref<1x64xf32, #tpu.memory_space<hbm>>
      tpu.enqueue_dma source(%dma_start3A_222 : memref<1x64xf32, #tpu.memory_space<hbm>>) target(%dma_start3A_220 : memref<1x64xf32, #tpu.memory_space<vmem>>) target_semaphore(%arg7 : memref<!tpu.dma_semaphore, #tpu.memory_space<semaphore_mem>>)
      %slice3A_223 = vector.extract_strided_slice %get3A_41 {offsets = [15], sizes = [1], strides = [1]} : vector<16xi32> to vector<1xi32>
      %squeeze3A_224 = vector.extract %slice3A_223[0] : i32 from vector<1xi32>
      %add3A_225 = arith.constant 15 : i32
      %add3A_226 = arith.addi %add3A_45, %add3A_225 : i32
      %dma_start3A_227 = arith.constant 0 : i32
      %dma_start3A_228 = tpu.memref_slice %arg6[%add3A_226, %dma_start3A_227] : memref<512x64xf32, #tpu.memory_space<vmem>> -> memref<1x64xf32, #tpu.memory_space<vmem>>
      %dma_start3A_229 = arith.constant 0 : i32
      %dma_start3A_230 = tpu.memref_slice %arg3[%squeeze3A_224, %dma_start3A_229] : memref<1000000x64xf32, #tpu.memory_space<hbm>> -> memref<1x64xf32, #tpu.memory_space<hbm>>
      %dma_start3A_231 = arith.constant 0 : i32
      %dma_start3A_232 = tpu.memref_slice %arg6[%add3A_226, %dma_start3A_231] : memref<512x64xf32, #tpu.memory_space<vmem>> -> memref<1x64xf32, #tpu.memory_space<vmem>>
      %dma_start3A_233 = arith.constant 0 : i32
      %dma_start3A_234 = tpu.memref_slice %arg3[%squeeze3A_224, %dma_start3A_233] : memref<1000000x64xf32, #tpu.memory_space<hbm>> -> memref<1x64xf32, #tpu.memory_space<hbm>>
      tpu.enqueue_dma source(%dma_start3A_234 : memref<1x64xf32, #tpu.memory_space<hbm>>) target(%dma_start3A_232 : memref<1x64xf32, #tpu.memory_space<vmem>>) target_semaphore(%arg7 : memref<!tpu.dma_semaphore, #tpu.memory_space<semaphore_mem>>)
      %scan3A_235 = arith.constant 0 : i32
      scf.yield %scan3A_235 : i32
    }
    %scan3A_29 = arith.constant 8 : i32
    %dma_wait3A = arith.constant 0 : i32
    %dma_wait3A_30 = arith.constant 0 : i32
    %dma_wait3A_31 = tpu.memref_slice %arg3[%dma_wait3A, %dma_wait3A_30] : memref<1000000x64xf32, #tpu.memory_space<hbm>> -> memref<512x64xf32, #tpu.memory_space<hbm>>
    %dma_wait3A_32 = arith.constant 0 : i32
    %dma_wait3A_33 = arith.constant 0 : i32
    %dma_wait3A_34 = tpu.memref_slice %arg3[%dma_wait3A_32, %dma_wait3A_33] : memref<1000000x64xf32, #tpu.memory_space<hbm>> -> memref<512x64xf32, #tpu.memory_space<hbm>>
    tpu.wait_dma2 semaphore(%arg7 : memref<!tpu.dma_semaphore, #tpu.memory_space<semaphore_mem>>) src(%dma_wait3A_34 : memref<512x64xf32, #tpu.memory_space<hbm>>) dst(%arg6 : memref<512x64xf32, #tpu.memory_space<vmem>>)
    "tpu.region"() ({
      %run_scoped3A = tpu.sem_alloc : memref<!tpu.dma_semaphore, #tpu.memory_space<semaphore_mem>>
      %dma_start3A = arith.constant 0 : i32
      %dma_start3A_35 = tpu.memref_slice %arg4[%mul3A_2, %dma_start3A] : memref<16384x64xf32, #tpu.memory_space<hbm>> -> memref<512x64xf32, #tpu.memory_space<hbm>>
      %dma_start3A_36 = arith.constant 0 : i32
      %dma_start3A_37 = tpu.memref_slice %arg4[%mul3A_2, %dma_start3A_36] : memref<16384x64xf32, #tpu.memory_space<hbm>> -> memref<512x64xf32, #tpu.memory_space<hbm>>
      tpu.enqueue_dma source(%arg6 : memref<512x64xf32, #tpu.memory_space<vmem>>) target(%dma_start3A_37 : memref<512x64xf32, #tpu.memory_space<hbm>>) target_semaphore(%run_scoped3A : memref<!tpu.dma_semaphore, #tpu.memory_space<semaphore_mem>>)
      %dma_wait3A_38 = arith.constant 0 : i32
      %dma_wait3A_39 = tpu.memref_slice %arg4[%mul3A_2, %dma_wait3A_38] : memref<16384x64xf32, #tpu.memory_space<hbm>> -> memref<512x64xf32, #tpu.memory_space<hbm>>
      %dma_wait3A_40 = arith.constant 0 : i32
      %dma_wait3A_41 = tpu.memref_slice %arg4[%mul3A_2, %dma_wait3A_40] : memref<16384x64xf32, #tpu.memory_space<hbm>> -> memref<512x64xf32, #tpu.memory_space<hbm>>
      tpu.wait_dma2 semaphore(%run_scoped3A : memref<!tpu.dma_semaphore, #tpu.memory_space<semaphore_mem>>) src(%arg6 : memref<512x64xf32, #tpu.memory_space<vmem>>) dst(%dma_wait3A_41 : memref<512x64xf32, #tpu.memory_space<hbm>>)
      tpu.yield
    }) : () -> ()
    return
  }
}

</mosaic_0001>

<sc_bundles>
// kernel: _lookup.3.cloned.1.call-start
scs
__scs_entry_jumppad:
0x0: {  	(pc) =	sbr.rel $0x88, $3  }
0x1: {  	(tag) =	ssettag $0x0;
	lr =	simm.s32 $0x1  }
0x2: {  	[smem:$0x3F9F] =	sst lr;
	_ =	strace $0xD0000000  }
0x3: {  	_ = 	snop  }
0x4: {  	_ = 	snop  }
0x5: {  	_ = 	snop  }
0x6: {  	_ = 	snop  }
0x7: {  	_ = 	snop  }
__scs_overlays_trampoline_lowered:
0x8: {  	[smem:$0x3FAE] =	sst s0  }
0x9: {  	[smem:$0x3FAF] =	sst s1  }
0xa: {  	[smem:$0x3FB0] =	sst s2  }
0xb: {  	[smem:$0x3FB1] =	sst s3  }
0xc: {  	[smem:$0x3FB2] =	sst s4  }
0xd: {  	[smem:$0x3FB3] =	sst s5  }
0xe: {  	[smem:$0x3FB4] =	sst s6  }
0xf: {  	[smem:$0x3FB5] =	sst s7  }
0x10: {  	[smem:$0x3FB6] =	sst s8  }
0x11: {  	[smem:$0x3FB7] =	sst s9;
	s0 =	simm.s32 @!p0 $0x0  }
0x12: {  	s1 =	sld [smem:$0x3F9D];
	s0 =	simm.s32 @p0 $0x1  }
0x13: {  	[smem:$0x3FB8] =	sst s0;
	s0 =	simm.s32 @!p1 $0x0  }
0x14: {  	s2 =	sld [smem:$0x3F9C];
	s0 =	simm.s32 @p1 $0x1  }
0x15: {  	[smem:$0x3FB9] =	sst s0;
	s0 =	simm.s32 @!p2 $0x0  }
0x16: {  	s3 =	sld [smem:$0x3FDB];
	s0 =	simm.s32 @p2 $0x1  }
0x17: {  	s4 =	simm.s32 $0x1BF5;
	[smem:$0x3FBB] =	sst s0  }
0x18: {  	s0 =	sld [smem:$0x3F9E];
	_ =	swait.ge [sflag:s4], $0x0  }
0x19: {  	s7 =	sld [smem:$0x3F9F]  }
0x1a: {  	s8 =	sadd.s32 $0xFFFFE003, lr  }
0x1b: {  	s9 =	sadd.s32 $0xFFFFFEF7, lr;
	s5 =	simm.s32 $0xFFFFFFFF;
	p2 =	slt.u32 s8, $0xFFFFF086  }
0x1c: {  	p1 =	slt.u32 s9, $0xF7A;
	s5 =	simm.s32 @!p2 $0x0  }
0x1d: {  	s5 =	simm.s32 @p1 $0x1;
	p0 =	seq.s32 s7, s2  }
0x1e: {  	s7 =	smul.u32 @!p0 $0xF7A, s2;
	p2 =	seq.s32 @!p0 s5, $0x0  }
0x1f: {  	s9 =	smul.u32 $0xF7A, s1;
	s8 =	simm.s32 @!p0 $0x1BF5;
	p2 =	por !p2, p0  }
0x20: {  	[sflag:s8] =	ssyncset.s32 @!p0 $0xFFFFF086;
	s6 =	sadd.s32 @!p0 s3, s7;
	s7 =	simm.s32 @!p0 $0x108  }
0x21: {  	s3 =	sadd.s32 s3, s9;
	s6 =	sadd.s32 @!p0 $0x88, s6;
	s7 =	simm.s32 @p2 $0x1082  }
0x22: {  	[simem:s7], [sflag:s8] =	dma.local @!p0 [hbm:s6], $0xF7A  }
0x23: {  	s9 =	sor.u32 $0xD0000000, s2;
	s6 =	simm.s32 $0x108;
	_ =	swait.ge @!p0 [sflag:s8], $0x0  }
0x24: {  	s3 =	sadd.s32 $0x88, s3;
	s6 =	simm.s32 @!p1 $0x1082;
	[sflag:s4] =	ssyncset.s32 $0xFFFFF086  }
0x25: {  	[simem:s6], [sflag:s4] =	dma.local [hbm:s3], $0xF7A  }
0x26: {  	[smem:$0x3F9F] =	sst s1;
	(tag) =	ssettag s2;
	_ =	strace s9  }
0x27: {  	s1 =	sld [smem:$0x3FAF]  }
0x28: {  	s2 =	sld [smem:$0x3FB0]  }
0x29: {  	s4 =	sld [smem:$0x3FB2]  }
0x2a: {  	p0 =	seq.s32 s5, $0x0;
	s5 =	sld [smem:$0x3FB3]  }
0x2b: {  	s6 =	sld [smem:$0x3FB4]  }
0x2c: {  	s7 =	sld [smem:$0x3FB5]  }
0x2d: {  	s3 =	simm.s32 $0x108;
	s8 =	sld [smem:$0x3FB6]  }
0x2e: {  	s3 =	simm.s32 @!p0 $0x1082;
	s9 =	sld [smem:$0x3FB7]  }
0x2f: {  	lr =	sadd.s32 s0, s3;
	s0 =	sld [smem:$0x3FAE]  }
0x30: {  	s3 =	sld [smem:$0x3FB1]  }
0x31: {  	[smem:$0x3FBA] =	sst s10  }
0x32: {  	s10 =	sld [smem:$0x3FB8];
	_ =	sdelay $0x3  }
0x33: {  	p0 =	seq.s32 s10, $0x1;
	s10 =	sld [smem:$0x3FBA];
	_ =	sdelay $0x3  }
0x34: {  	[smem:$0x3FBA] =	sst s10  }
0x35: {  	s10 =	sld [smem:$0x3FB9];
	_ =	sdelay $0x3  }
0x36: {  	p1 =	seq.s32 s10, $0x1;
	s10 =	sld [smem:$0x3FBA];
	_ =	sdelay $0x3  }
0x37: {  	[smem:$0x3FBA] =	sst s10  }
0x38: {  	s10 =	sld [smem:$0x3FBB]  }
0x39: {  	_ = 	snop;
	(pc) =	sbr.ind lr, $3  }
0x3a: {  	_ = 	snop  }
0x3b: {  	_ = 	snop  }
0x3c: {  	p2 =	seq.s32 s10, $0x1;
	s10 =	sld [smem:$0x3FBA]  }
0x3d: {  	_ =	shalt  }
0x3e: {  	_ =	shalt  }
0x3f: {  	_ =	shalt  }
0x40: {  	_ =	shalt  }
0x41: {  	_ =	shalt  }
0x42: {  	_ =	shalt  }
0x43: {  	_ =	shalt  }
0x44: {  	_ =	shalt  }
0x45: {  	_ =	shalt  }
0x46: {  	_ =	shalt  }
0x47: {  	_ =	shalt  }
0x48: {  	_ =	shalt  }
0x49: {  	_ =	shalt  }
0x4a: {  	_ =	shalt  }
0x4b: {  	_ =	shalt  }
0x4c: {  	_ =	shalt  }
0x4d: {  	_ =	shalt  }
0x4e: {  	_ =	shalt  }
0x4f: {  	_ =	shalt  }
0x50: {  	_ =	shalt  }
0x51: {  	_ =	shalt  }
0x52: {  	_ =	shalt  }
0x53: {  	_ =	shalt  }
0x54: {  	_ =	shalt  }
0x55: {  	_ =	shalt  }
0x56: {  	_ =	shalt  }
0x57: {  	_ =	shalt  }
0x58: {  	_ =	shalt  }
0x59: {  	_ =	shalt  }
0x5a: {  	_ =	shalt  }
0x5b: {  	_ =	shalt  }
0x5c: {  	_ =	shalt  }
0x5d: {  	_ =	shalt  }
0x5e: {  	_ =	shalt  }
0x5f: {  	_ =	shalt  }
0x60: {  	_ =	shalt  }
0x61: {  	_ =	shalt  }
0x62: {  	_ =	shalt  }
0x63: {  	_ =	shalt  }
0x64: {  	_ =	shalt  }
0x65: {  	_ =	shalt  }
0x66: {  	_ =	shalt  }
0x67: {  	_ =	shalt  }
0x68: {  	_ =	shalt  }
0x69: {  	_ =	shalt  }
0x6a: {  	_ =	shalt  }
0x6b: {  	_ =	shalt  }
0x6c: {  	_ =	shalt  }
0x6d: {  	_ =	shalt  }
0x6e: {  	_ =	shalt  }
0x6f: {  	_ =	shalt  }
0x70: {  	_ =	shalt  }
0x71: {  	_ =	shalt  }
0x72: {  	_ =	shalt  }
0x73: {  	_ =	shalt  }
0x74: {  	_ =	shalt  }
0x75: {  	_ =	shalt  }
0x76: {  	_ =	shalt  }
0x77: {  	_ =	shalt  }
0x78: {  	_ =	shalt  }
0x79: {  	_ =	shalt  }
0x7a: {  	_ =	shalt  }
0x7b: {  	_ =	shalt  }
0x7c: {  	_ =	shalt  }
0x7d: {  	_ =	shalt  }
0x7e: {  	_ =	shalt  }
0x7f: {  	_ =	shalt  }
0x80: {  	_ =	shalt  }
0x81: {  	_ =	shalt  }
0x82: {  	_ =	shalt  }
0x83: {  	_ =	shalt  }
0x84: {  	_ =	shalt  }
0x85: {  	_ =	shalt  }
0x86: {  	_ =	shalt  }
0x87: {  	_ =	shalt  }
.Lfunc_end0:
.L_simem_size_0:
called_computation_lowered:
.L_overlay_start_0:
0x88: {  	s2 =	sld [smem:$0x3FD9]  }
0x89: {  	s3 =	sld [smem:$0x3FFE];
	_ =	sdelay $0x1  }
0x8a: {  	s1 =	srdreg.scid  }
0x8b: {  	s0 =	sand.u32 $0x1, s1  }
0x8c: {  	s17 =	sshll.u32 s0, $0xA;
	s2 =	sadd.s32 s3, s2  }
0x8d: {  	s2 =	sadd.s32 s2, s17  }
0x8e: {  	[smem:$0x3FC6] =	sst s2  }
0x8f: {  	_ = 	snop  }
0x90: {  	s2 =	sld [smem:$0x3FC9];
	(tm) =	ssettm $0x1  }
0x91: {  	s18 =	sld [smem:$0x3FFB];
	_ =	sdelay $0x3  }
0x92: {  	_ =	strace s18  }
0x93: {  	s3 =	sld [smem:$0x3FFC];
	_ =	sdelay $0x3  }
0x94: {  	_ =	strace s3  }
0x95: {  	s3 =	sld [smem:$0x3FFD];
	_ =	sdelay $0x3  }
0x96: {  	_ =	strace s3  }
0x97: {  	_ =	strace $0x8FFFFFFF  }
0x98: {  	s19 =	sld [smem:$0x3FDB];
	_ =	sdelay $0x1  }
0x99: {  	s4 =	simm.s32 $_scs_section_size  }
0x9a: {  	s5 =	simm.s32 $_size__tile_overlayer_lowered;
	s6 =	simm.s32 $_tile_overlayer_lowered  }
0x9b: {  	s22 =	simm.s32 $0x1BFF;
	s21 =	sshll.u32 s6, $0x1;
	s3 =	sadd.s32 s4, s19  }
0x9c: {  	s7 =	simm.s32 $0x0;
	s20 =	sshll.u32 s5, $0x1;
	s5 =	sadd.s32 s21, s3  }
0x9d: {  	[timem:s7], [sflag:s22] =	dma.local [hbm:s5], s20  }
0x9e: {  	_ =	swait.ge [sflag:s22], s20  }
0x9f: {  	s4 =	ssub.s32 $0x0, s20;
	[sflag:s22] =	ssyncset.done $0x0  }
0xa0: {  	[sflag:s22] =	ssyncadd.s32 s4;
	_ =	sdelay $0x1  }
0xa1: {  	s23 =	simm.s32 $0x1B8B  }
0xa2: {  	_ =	swait.ge [sflag:s23], $0x1  }
0xa3: {  	[sflag:s23] =	ssyncset.done $0x0  }
0xa4: {  	s25 =	simm.s32 $0x1B8E;
	s24 =	sld [smem:$0x3FFE];
	[sflag:s23] =	ssyncadd.s32 $0xFFFFFFFF  }
0xa5: {  	s26 =	simm.s32 $execute0_lowered;
	[smem:$0x3FD2] =	sst s25  }
0xa6: {  	s5 =	sshll.u32 s26, $0x1;
	_ =	strace $0x80000046;
	[dreg:$0x1] =	wrdreg $0xFFFFFFFF  }
0xa7: {  	s28 =	simm.s32 $_size_execute0_lowered;
	s3 =	sadd.s32 s3, s5;
	[dreg:$0x0] =	wrdreg $0x0  }
0xa8: {  	s5 =	sshll.u32 s28, $0x1;
	[dreg:$0x2] =	wrdreg s3  }
0xa9: {  	[dreg:$0x3] =	wrdreg s5  }
0xaa: {  	[dreg:$0x4] =	wrdreg $0xC0  }
0xab: {  	_ =	task [dreg:s7], $0x5FFFF  }
0xac: {  	[dreg:$0x1] =	wrdreg $0xFFFFFFFF  }
0xad: {  	[dreg:$0x0] =	wrdreg $0x60  }
0xae: {  	[dreg:$0x2] =	wrdreg s2  }
0xaf: {  	[dreg:$0x3] =	wrdreg s24  }
0xb0: {  	[dreg:$0x4] =	wrdreg $0x9  }
0xb1: {  	_ =	task.clear_ibuf [dreg:s7], $0x5FFFF;
	_ =	strace $0x90000046  }
0xb2: {  	s29 =	simm.s32 $0x9;
	_ =	strace $0x80000048  }
0xb3: {  	_ =	swait.ge [sflag:s29], $0x1  }
0xb4: {  	[sflag:s29] =	ssyncadd.s32 $0xFFFFFFFF  }
0xb5: {  	_ =	strace $0x90000048  }
0xb6: {  	_ =	sfence  }
0xb7: {  	s30 =	sld [smem:$0x0];
	_ =	sdelay $0x2  }
0xb8: {  	s31 =	sshll.u32 s1, $0xD;
	s1 =	sshrl.u32 s1, $0x2  }
0xb9: {  	s3 =	sand.u32 $0x4000, s31;
	s1 =	sadd.s32 s1, s30  }
0xba: {  	s0 =	sor.u32 s3, s0;
	s1 =	sshll.u32 s1, $0x11  }
0xbb: {  	s0 =	sor.u32 s1, s0  }
0xbc: {  	s0 =	sadd.s32 $0x8F2B, s0  }
0xbd: {  	[sflag:s0] =	ssyncadd.remote.s32 $0x1  }
0xbe: {  	_ =	sfence.sel $0xFFFF  }
0xbf: {  	[dreg:$0x0] =	wrdreg $0xFFFFFFFF;
	(pc) =	sbr.abs _section_cstart, $3  }
0xc0: {  	[dreg:$0x1] =	wrdreg $0xFFFFFFFF  }
0xc1: {  	_ =	task.clear_ibuf [dreg:s7], $0x2FFFF;
	_ =	strace $0x9FFFFFFF  }
0xc2: {  	(tm) =	ssettm $0x7FFFFFFF  }
0xc3: {  	_ =	shalt  }
tec
execute0_lowered:
.L_overlay_start_1:
0x0: {  	(tag) =	ssettag $0x1  }
0x1: {  	s4 =	rddreg [dreg:$0x0]  }
0x2: {  	s5 =	rddreg [dreg:$0x1];
	s2 =	simm.s32 $0x0;
	s3 =	srdreg.scid  }
0x3: {  	s1 =	stileid.u32;
	s10 =	simm.s32 $0x0;
	s6 =	sand.u32 $0x1, s3  }
0x4: {  	[smem:$0x7FF] =	sst s2;
	s7 =	sshll.u32 s1, $0xA;
	s8 =	sshll.u32 s6, $0x9  }
0x5: {  	s3 =	sadd.s32 $0x400, s5;
	s6 =	ssub.s32 $0x2, s6;
	s7 =	sor.u32 s8, s7  }
0x6: {  	_ =	strace $0x80000047;
	s9 =	sshrl.u32 s6, $0x1;
	s8 =	sshll.u32 s7, $0x4  }
0x7: {  	s7 =	sshrl.u32 s7, $0x3;
	s6 =	ssub.s32 s6, s9;
	s9 =	simm.s32 $0x200  }
0x8: {  	s5 =	sadd.s32 s8, s5;
	s4 =	sadd.s32 s4, s7;
	s6 =	smax.u32 s6, $0x1  }
0x9: {  	s7 =	simm.s32 $0x2;
	s8 =	simm.s32 $0x1;
	s5 =	sadd.s32 $0xF42800, s5  }
.LBB2_1:
0xa: {  	[tilespmem:s2], [sflag:$0x2] =	stream.linear.gather [hbm4b:s4+s2], $0x200, $0x38;
	[tilespmem:$0x10200] =	vst v63  }
0xb: {  	_ =	swait.ge [sflag:s7], $0x200  }
0xc: {  	[sflag:s7] =	ssyncset.done $0x0  }
0xd: {  	[sflag:s7] =	ssyncadd.s32 $0xFFFFFE00  }
0xe: {  	v0 =	vld [tilespmem:s2+$0x0];
	_ =	sdelay $0x4  }
0xf: {  	v0 =	vshll.u32 v0, $0x4  }
0x10: {  	(v2sf) =	vpush v0, $0x0  }
0x11: {  	(v2sf) =	vpush v0, $0x1  }
0x12: {  	(v2sf) =	vpush v0, $0x2;
	_ =	sdelay $0x1  }
0x13: {  	(v2sf) =	vpush v0, $0x4;
	_ =	sdelay $0x1  }
0x14: {  	(v2sf) =	vpush v0, $0x3  }
0x15: {  	(v2sf) =	vpush v0, $0x5  }
0x16: {  	s13 =	simm.s32 $0x2000;
	s12 =	simm.s32 $0x0;
	s14 =	simm.s32 $0x0;
	(v2sf) =	vpush v0, $0x6  }
.LBB2_2:
0x17: {  	p0 =	sne.s32 s13, $0xE000  }
0x18: {  	s24 =	sadd.s32 $0x280, s12;
	s18 =	sadd.s32 $0x780, s12;
	s15 =	smov.u32 s13  }
0x19: {  	s13 =	sadd.s32 $0x2000, s13;
	s21 =	sadd.s32 $0x580, s12;
	s16 =	sadd.s32 $0x800, s12;
	(v2sf) =	vpush v0, $0x7  }
0x1a: {  	s23 =	sadd.s32 $0x480, s12;
	s19 =	sadd.s32 $0x600, s12;
	s17 =	sadd.s32 $0x880, s12  }
0x1b: {  	s25 =	sadd.s32 $0x200, s12;
	s26 =	sadd.s32 $0x400, s12;
	(v2sf) =	vpush v0, $0x8  }
0x1c: {  	s11 =	simm.s32 $0x0;
	s28 =	sadd.s32 $0x500, s12;
	s14 =	sadd.s32 $0x10, s14  }
0x1d: {  	s29 =	sadd.s32 $0x300, s12;
	s20 =	sadd.s32 $0x700, s12;
	s22 =	spop (v2sf);
	(v2sf) =	vpush v0, $0x9  }
0x1e: {  	s30 =	sand.u32 $0x1FFFFFF0, s22;
	s22 =	sadd.s32 $0x680, s12;
	s31 =	spop (v2sf)  }
0x1f: {  	s30 =	sadd.s32 s3, s30;
	s31 =	sand.u32 $0x1FFFFFF0, s31;
	s0 =	spop (v2sf);
	(v2sf) =	vpush v0, $0xA  }
0x20: {  	[tilespmem:s25], [sflag:$0x1] =	stream.linear.gather [hbm4b:s30+s11], $0x80, $0x38;
	[tilespmem:$0x10200] =	vst v63  }
0x21: {  	s25 =	sadd.s32 s3, s31;
	s30 =	sadd.s32 $0x380, s12;
	s31 =	spop (v2sf);
	(v2sf) =	vpush v0, $0xB  }
0x22: {  	[tilespmem:s24], [sflag:$0x1] =	stream.linear.gather [hbm4b:s25+s11], $0x80, $0x38;
	[tilespmem:$0x10200] =	vst v63  }
0x23: {  	s0 =	sand.u32 $0x1FFFFFF0, s0;
	s24 =	sand.u32 $0x1FFFFFF0, s31;
	s25 =	spop (v2sf);
	(v2sf) =	vpush v0, $0xC  }
0x24: {  	s0 =	sadd.s32 s3, s0;
	s25 =	sand.u32 $0x1FFFFFF0, s25;
	s31 =	spop (v2sf)  }
0x25: {  	[tilespmem:s29], [sflag:$0x1] =	stream.linear.gather [hbm4b:s0+s11], $0x80, $0x38;
	(v2sf) =	vpush v0, $0xD;
	[tilespmem:$0x10200] =	vst v63  }
0x26: {  	s0 =	sadd.s32 s3, s25;
	s25 =	sand.u32 $0x1FFFFFF0, s31;
	s29 =	spop (v2sf)  }
0x27: {  	[tilespmem:s30], [sflag:$0x1] =	stream.linear.gather [hbm4b:s0+s11], $0x80, $0x38;
	(v2sf) =	vpush v0, $0xE;
	[tilespmem:$0x10200] =	vst v63  }
0x28: {  	s0 =	sadd.s32 s3, s24;
	s24 =	sand.u32 $0x1FFFFFF0, s29;
	s29 =	spop (v2sf)  }
0x29: {  	[tilespmem:s26], [sflag:$0x1] =	stream.linear.gather [hbm4b:s0+s11], $0x80, $0x38;
	(v2sf) =	vpush v0, $0xF;
	[tilespmem:$0x10200] =	vst v63  }
0x2a: {  	s0 =	sadd.s32 s3, s25;
	s25 =	sand.u32 $0x1FFFFFF0, s29;
	s26 =	spop (v2sf)  }
0x2b: {  	[tilespmem:s23], [sflag:$0x1] =	stream.linear.gather [hbm4b:s0+s11], $0x80, $0x38;
	[tilespmem:$0x10200] =	vst v63  }
0x2c: {  	s0 =	sadd.s32 s3, s24;
	s23 =	sand.u32 $0x1FFFFFF0, s26;
	s24 =	spop (v2sf)  }
0x2d: {  	[tilespmem:s28], [sflag:$0x1] =	stream.linear.gather [hbm4b:s0+s11], $0x80, $0x38;
	[tilespmem:$0x10200] =	vst v63  }
0x2e: {  	s0 =	sadd.s32 s3, s25;
	s24 =	sand.u32 $0x1FFFFFF0, s24;
	s25 =	spop (v2sf)  }
0x2f: {  	[tilespmem:s21], [sflag:$0x1] =	stream.linear.gather [hbm4b:s0+s11], $0x80, $0x38;
	[tilespmem:$0x10200] =	vst v63  }
0x30: {  	s0 =	sadd.s32 s3, s23;
	s21 =	sand.u32 $0x1FFFFFF0, s25;
	s23 =	spop (v2sf)  }
0x31: {  	[tilespmem:s19], [sflag:$0x1] =	stream.linear.gather [hbm4b:s0+s11], $0x80, $0x38;
	[tilespmem:$0x10200] =	vst v63  }
0x32: {  	s0 =	sadd.s32 s3, s24;
	s19 =	sand.u32 $0x1FFFFFF0, s23;
	s23 =	spop (v2sf)  }
0x33: {  	[tilespmem:s22], [sflag:$0x1] =	stream.linear.gather [hbm4b:s0+s11], $0x80, $0x38;
	[tilespmem:$0x10200] =	vst v63  }
0x34: {  	s0 =	sadd.s32 s3, s21;
	s21 =	sand.u32 $0x1FFFFFF0, s23;
	s22 =	spop (v2sf)  }
0x35: {  	[tilespmem:s20], [sflag:$0x1] =	stream.linear.gather [hbm4b:s0+s11], $0x80, $0x38;
	[tilespmem:$0x10200] =	vst v63  }
0x36: {  	s0 =	sadd.s32 s3, s19;
	s19 =	sand.u32 $0x1FFFFFF0, s22;
	s20 =	spop (v2sf)  }
0x37: {  	[tilespmem:s18], [sflag:$0x1] =	stream.linear.gather [hbm4b:s0+s11], $0x80, $0x38;
	[tilespmem:$0x10200] =	vst v63  }
0x38: {  	s0 =	sadd.s32 s3, s21;
	s18 =	sand.u32 $0x1FFFFFF0, s20;
	s20 =	spop (v2sf)  }
0x39: {  	[tilespmem:s16], [sflag:$0x1] =	stream.linear.gather [hbm4b:s0+s11], $0x80, $0x38;
	[tilespmem:$0x10200] =	vst v63  }
0x3a: {  	s0 =	sadd.s32 s3, s19;
	s16 =	sand.u32 $0x1FFFFFF0, s20  }
0x3b: {  	[tilespmem:s17], [sflag:$0x1] =	stream.linear.gather [hbm4b:s0+s11], $0x80, $0x38;
	[tilespmem:$0x10200] =	vst v63  }
0x3c: {  	s0 =	sadd.s32 $0x900, s12;
	s17 =	sadd.s32 s3, s18  }
0x3d: {  	[tilespmem:s0], [sflag:$0x1] =	stream.linear.gather [hbm4b:s17+s11], $0x80, $0x38;
	[tilespmem:$0x10200] =	vst v63  }
0x3e: {  	s0 =	sadd.s32 $0x980, s12;
	s12 =	sadd.s32 s3, s16  }
0x3f: {  	[tilespmem:s0], [sflag:$0x1] =	stream.linear.gather [hbm4b:s12+s11], $0x80, $0x38;
	[tilespmem:$0x10200] =	vst v63  }
0x40: {  	v0 =	vld [tilespmem:s14+$0x0];
	_ =	sdelay $0x4  }
0x41: {  	v0 =	vshll.u32 v0, $0x4  }
0x42: {  	(v2sf) =	vpush v0, $0x0  }
0x43: {  	(v2sf) =	vpush v0, $0x1  }
0x44: {  	(v2sf) =	vpush v0, $0x2;
	_ =	sdelay $0x1  }
0x45: {  	(v2sf) =	vpush v0, $0x4  }
.Ltmp0:
0x46: {  	(pc) =	sbr.rel @p0 .LBB2_2-.Ltmp0, $3  }
0x47: {  	(v2sf) =	vpush v0, $0x3  }
0x48: {  	(v2sf) =	vpush v0, $0x5;
	_ =	sdelay $0x1  }
0x49: {  	s12 =	sshra.s32 s15, $0x2;
	(v2sf) =	vpush v0, $0x6  }
0x4a: {  	_ =	sdelay $0x1  }
0x4b: {  	s0 =	sadd.s32 $0x280, s12;
	s15 =	sadd.s32 $0x780, s12  }
0x4c: {  	s16 =	sadd.s32 $0x580, s12;
	s13 =	sadd.s32 $0x800, s12;
	(v2sf) =	vpush v0, $0x7;
	s17 =	sadd.s32 $0x480, s12  }
0x4d: {  	s18 =	sadd.s32 $0x600, s12;
	s14 =	sadd.s32 $0x880, s12;
	s19 =	sadd.s32 $0x200, s12  }
0x4e: {  	s20 =	sadd.s32 $0x400, s12;
	s21 =	sadd.s32 $0x500, s12;
	(v2sf) =	vpush v0, $0x8;
	s22 =	spop (v2sf)  }
0x4f: {  	s23 =	sadd.s32 $0x300, s12;
	s22 =	sand.u32 $0x1FFFFFF0, s22;
	s24 =	spop (v2sf)  }
0x50: {  	(v2sf) =	vpush v0, $0x9;
	s22 =	sadd.s32 s3, s22;
	s24 =	sand.u32 $0x1FFFFFF0, s24;
	s25 =	spop (v2sf)  }
0x51: {  	[tilespmem:s19], [sflag:$0x1] =	stream.linear.gather [hbm4b:s22+s11], $0x80, $0x38;
	[tilespmem:$0x10200] =	vst v63  }
0x52: {  	(v2sf) =	vpush v0, $0xA;
	s26 =	sadd.s32 s3, s24;
	s29 =	sand.u32 $0x1FFFFFF0, s25;
	s28 =	spop (v2sf)  }
0x53: {  	[tilespmem:s0], [sflag:$0x1] =	stream.linear.gather [hbm4b:s26+s11], $0x80, $0x38;
	[tilespmem:$0x10200] =	vst v63  }
0x54: {  	s19 =	sadd.s32 $0x700, s12;
	(v2sf) =	vpush v0, $0xB;
	s22 =	sadd.s32 s3, s29;
	s30 =	spop (v2sf)  }
0x55: {  	s0 =	sadd.s32 $0x680, s12;
	s26 =	sadd.s32 $0x380, s12;
	s25 =	sand.u32 $0x1FFFFFF0, s30  }
0x56: {  	(v2sf) =	vpush v0, $0xC;
	[tilespmem:s23], [sflag:$0x1] =	stream.linear.gather [hbm4b:s22+s11], $0x80, $0x38;
	[tilespmem:$0x10200] =	vst v63  }
0x57: {  	s31 =	sand.u32 $0x1FFFFFF0, s28;
	s28 =	spop (v2sf);
	s29 =	sadd.s32 s3, s25  }
0x58: {  	(v2sf) =	vpush v0, $0xD;
	[tilespmem:s26], [sflag:$0x1] =	stream.linear.gather [hbm4b:s29+s11], $0x80, $0x38;
	[tilespmem:$0x10200] =	vst v63  }
0x59: {  	s22 =	sadd.s32 s3, s31;
	s23 =	sand.u32 $0x1FFFFFF0, s28;
	s30 =	spop (v2sf)  }
0x5a: {  	(v2sf) =	vpush v0, $0xE;
	[tilespmem:s20], [sflag:$0x1] =	stream.linear.gather [hbm4b:s22+s11], $0x80, $0x38;
	[tilespmem:$0x10200] =	vst v63  }
0x5b: {  	s23 =	sadd.s32 s3, s23;
	s31 =	sand.u32 $0x1FFFFFF0, s30;
	s24 =	spop (v2sf)  }
0x5c: {  	(v2sf) =	vpush v0, $0xF;
	[tilespmem:s17], [sflag:$0x1] =	stream.linear.gather [hbm4b:s23+s11], $0x80, $0x38;
	[tilespmem:$0x10200] =	vst v63  }
0x5d: {  	s25 =	sand.u32 $0x1FFFFFF0, s24;
	s26 =	spop (v2sf);
	s20 =	sadd.s32 s3, s31  }
0x5e: {  	[tilespmem:s21], [sflag:$0x1] =	stream.linear.gather [hbm4b:s20+s11], $0x80, $0x38;
	[tilespmem:$0x10200] =	vst v63  }
0x5f: {  	s28 =	sand.u32 $0x1FFFFFF0, s26;
	s17 =	sadd.s32 s3, s25;
	s29 =	spop (v2sf)  }
0x60: {  	[tilespmem:s16], [sflag:$0x1] =	stream.linear.gather [hbm4b:s17+s11], $0x80, $0x38;
	[tilespmem:$0x10200] =	vst v63  }
0x61: {  	s20 =	sadd.s32 s3, s28;
	s30 =	sand.u32 $0x1FFFFFF0, s29;
	s31 =	spop (v2sf)  }
0x62: {  	[tilespmem:s18], [sflag:$0x1] =	stream.linear.gather [hbm4b:s20+s11], $0x80, $0x38;
	[tilespmem:$0x10200] =	vst v63  }
0x63: {  	s17 =	sand.u32 $0x1FFFFFF0, s31;
	s16 =	sadd.s32 s3, s30;
	s20 =	spop (v2sf)  }
0x64: {  	[tilespmem:s0], [sflag:$0x1] =	stream.linear.gather [hbm4b:s16+s11], $0x80, $0x38;
	[tilespmem:$0x10200] =	vst v63  }
0x65: {  	s17 =	sadd.s32 s3, s17;
	s21 =	sand.u32 $0x1FFFFFF0, s20;
	s22 =	spop (v2sf)  }
0x66: {  	[tilespmem:s19], [sflag:$0x1] =	stream.linear.gather [hbm4b:s17+s11], $0x80, $0x38;
	[tilespmem:$0x10200] =	vst v63  }
0x67: {  	s0 =	sadd.s32 s3, s21;
	s16 =	sand.u32 $0x1FFFFFF0, s22;
	s23 =	spop (v2sf)  }
0x68: {  	[tilespmem:s15], [sflag:$0x1] =	stream.linear.gather [hbm4b:s0+s11], $0x80, $0x38;
	[tilespmem:$0x10200] =	vst v63  }
0x69: {  	s24 =	sand.u32 $0x1FFFFFF0, s23;
	s16 =	sadd.s32 s3, s16;
	s25 =	spop (v2sf)  }
0x6a: {  	[tilespmem:s13], [sflag:$0x1] =	stream.linear.gather [hbm4b:s16+s11], $0x80, $0x38;
	[tilespmem:$0x10200] =	vst v63  }
0x6b: {  	s26 =	sand.u32 $0x1FFFFFF0, s25;
	s28 =	spop (v2sf);
	s0 =	sadd.s32 s3, s24  }
0x6c: {  	[tilespmem:s14], [sflag:$0x1] =	stream.linear.gather [hbm4b:s0+s11], $0x80, $0x38;
	[tilespmem:$0x10200] =	vst v63  }
0x6d: {  	s30 =	sadd.s32 $0x900, s12;
	s29 =	sand.u32 $0x1FFFFFF0, s28;
	s13 =	sadd.s32 s3, s26  }
0x6e: {  	[tilespmem:s30], [sflag:$0x1] =	stream.linear.gather [hbm4b:s13+s11], $0x80, $0x38;
	[tilespmem:$0x10200] =	vst v63  }
0x6f: {  	s31 =	sadd.s32 $0x980, s12;
	s0 =	sadd.s32 s3, s29;
	s13 =	simm.s32 $0x80  }
0x70: {  	[tilespmem:s31], [sflag:$0x1] =	stream.linear.gather [hbm4b:s0+s11], $0x80, $0x38;
	[tilespmem:$0x10200] =	vst v63  }
0x71: {  	v0 =	vld [tilespmem:s13+$0x0];
	_ =	sdelay $0x4  }
0x72: {  	v0 =	vshll.u32 v0, $0x4  }
0x73: {  	(v2sf) =	vpush v0, $0x0  }
0x74: {  	(v2sf) =	vpush v0, $0x1  }
0x75: {  	(v2sf) =	vpush v0, $0x2;
	_ =	sdelay $0x1  }
0x76: {  	(v2sf) =	vpush v0, $0x4;
	_ =	sdelay $0x1  }
0x77: {  	(v2sf) =	vpush v0, $0x3  }
0x78: {  	(v2sf) =	vpush v0, $0x5  }
0x79: {  	s12 =	simm.s32 $0x0;
	s14 =	simm.s32 $0x2000;
	(v2sf) =	vpush v0, $0x6  }
.LBB2_4:
0x7a: {  	p0 =	sne.s32 s14, $0xE000  }
0x7b: {  	s0 =	sadd.s32 $0x4280, s12;
	s18 =	sadd.s32 $0x4780, s12;
	s15 =	smov.u32 s14  }
0x7c: {  	s14 =	sadd.s32 $0x2000, s14;
	s21 =	sadd.s32 $0x4580, s12;
	s16 =	sadd.s32 $0x4800, s12;
	(v2sf) =	vpush v0, $0x7  }
0x7d: {  	s23 =	sadd.s32 $0x4480, s12;
	s20 =	sadd.s32 $0x4600, s12;
	s17 =	sadd.s32 $0x4880, s12  }
0x7e: {  	s24 =	sadd.s32 $0x4200, s12;
	s25 =	sadd.s32 $0x4400, s12;
	(v2sf) =	vpush v0, $0x8  }
0x7f: {  	s26 =	sadd.s32 $0x4500, s12;
	s13 =	sadd.s32 $0x10, s13  }
0x80: {  	s28 =	sadd.s32 $0x4300, s12;
	s19 =	sadd.s32 $0x4700, s12;
	s22 =	spop (v2sf);
	(v2sf) =	vpush v0, $0x9  }
0x81: {  	s29 =	sand.u32 $0x1FFFFFF0, s22;
	s22 =	sadd.s32 $0x4680, s12;
	s30 =	spop (v2sf)  }
0x82: {  	s29 =	sadd.s32 s3, s29;
	s30 =	sand.u32 $0x1FFFFFF0, s30;
	s31 =	spop (v2sf);
	(v2sf) =	vpush v0, $0xA  }
0x83: {  	[tilespmem:s24], [sflag:$0x1] =	stream.linear.gather [hbm4b:s29+s11], $0x80, $0x38;
	[tilespmem:$0x10200] =	vst v63  }
0x84: {  	s24 =	sadd.s32 s3, s30;
	s29 =	sadd.s32 $0x4380, s12;
	s30 =	spop (v2sf);
	(v2sf) =	vpush v0, $0xB  }
0x85: {  	[tilespmem:s0], [sflag:$0x1] =	stream.linear.gather [hbm4b:s24+s11], $0x80, $0x38;
	[tilespmem:$0x10200] =	vst v63  }
0x86: {  	s0 =	sand.u32 $0x1FFFFFF0, s31;
	s24 =	sand.u32 $0x1FFFFFF0, s30;
	s30 =	spop (v2sf);
	(v2sf) =	vpush v0, $0xC  }
0x87: {  	s0 =	sadd.s32 s3, s0;
	s30 =	sand.u32 $0x1FFFFFF0, s30;
	s31 =	spop (v2sf)  }
0x88: {  	[tilespmem:s28], [sflag:$0x1] =	stream.linear.gather [hbm4b:s0+s11], $0x80, $0x38;
	(v2sf) =	vpush v0, $0xD;
	[tilespmem:$0x10200] =	vst v63  }
0x89: {  	s0 =	sadd.s32 s3, s30;
	s28 =	sand.u32 $0x1FFFFFF0, s31;
	s30 =	spop (v2sf)  }
0x8a: {  	[tilespmem:s29], [sflag:$0x1] =	stream.linear.gather [hbm4b:s0+s11], $0x80, $0x38;
	(v2sf) =	vpush v0, $0xE;
	[tilespmem:$0x10200] =	vst v63  }
0x8b: {  	s0 =	sadd.s32 s3, s24;
	s24 =	sand.u32 $0x1FFFFFF0, s30;
	s29 =	spop (v2sf)  }
0x8c: {  	[tilespmem:s25], [sflag:$0x1] =	stream.linear.gather [hbm4b:s0+s11], $0x80, $0x38;
	(v2sf) =	vpush v0, $0xF;
	[tilespmem:$0x10200] =	vst v63  }
0x8d: {  	s0 =	sadd.s32 s3, s28;
	s25 =	sand.u32 $0x1FFFFFF0, s29;
	s28 =	spop (v2sf)  }
0x8e: {  	[tilespmem:s23], [sflag:$0x1] =	stream.linear.gather [hbm4b:s0+s11], $0x80, $0x38;
	[tilespmem:$0x10200] =	vst v63  }
0x8f: {  	s0 =	sadd.s32 s3, s24;
	s23 =	sand.u32 $0x1FFFFFF0, s28;
	s24 =	spop (v2sf)  }
0x90: {  	[tilespmem:s26], [sflag:$0x1] =	stream.linear.gather [hbm4b:s0+s11], $0x80, $0x38;
	[tilespmem:$0x10200] =	vst v63  }
0x91: {  	s0 =	sadd.s32 s3, s25;
	s24 =	sand.u32 $0x1FFFFFF0, s24;
	s25 =	spop (v2sf)  }
0x92: {  	[tilespmem:s21], [sflag:$0x1] =	stream.linear.gather [hbm4b:s0+s11], $0x80, $0x38;
	[tilespmem:$0x10200] =	vst v63  }
0x93: {  	s0 =	sadd.s32 s3, s23;
	s21 =	sand.u32 $0x1FFFFFF0, s25;
	s23 =	spop (v2sf)  }
0x94: {  	[tilespmem:s20], [sflag:$0x1] =	stream.linear.gather [hbm4b:s0+s11], $0x80, $0x38;
	[tilespmem:$0x10200] =	vst v63  }
0x95: {  	s0 =	sadd.s32 s3, s24;
	s20 =	sand.u32 $0x1FFFFFF0, s23;
	s23 =	spop (v2sf)  }
0x96: {  	[tilespmem:s22], [sflag:$0x1] =	stream.linear.gather [hbm4b:s0+s11], $0x80, $0x38;
	[tilespmem:$0x10200] =	vst v63  }
0x97: {  	s0 =	sadd.s32 s3, s21;
	s21 =	sand.u32 $0x1FFFFFF0, s23;
	s22 =	spop (v2sf)  }
0x98: {  	[tilespmem:s19], [sflag:$0x1] =	stream.linear.gather [hbm4b:s0+s11], $0x80, $0x38;
	[tilespmem:$0x10200] =	vst v63  }
0x99: {  	s0 =	sadd.s32 s3, s20;
	s19 =	sand.u32 $0x1FFFFFF0, s22;
	s20 =	spop (v2sf)  }
0x9a: {  	[tilespmem:s18], [sflag:$0x1] =	stream.linear.gather [hbm4b:s0+s11], $0x80, $0x38;
	[tilespmem:$0x10200] =	vst v63  }
0x9b: {  	s0 =	sadd.s32 s3, s21;
	s18 =	sand.u32 $0x1FFFFFF0, s20;
	s20 =	spop (v2sf)  }
0x9c: {  	[tilespmem:s16], [sflag:$0x1] =	stream.linear.gather [hbm4b:s0+s11], $0x80, $0x38;
	[tilespmem:$0x10200] =	vst v63  }
0x9d: {  	s0 =	sadd.s32 s3, s19;
	s16 =	sand.u32 $0x1FFFFFF0, s20  }
0x9e: {  	[tilespmem:s17], [sflag:$0x1] =	stream.linear.gather [hbm4b:s0+s11], $0x80, $0x38;
	[tilespmem:$0x10200] =	vst v63  }
0x9f: {  	s0 =	sadd.s32 $0x4900, s12;
	s17 =	sadd.s32 s3, s18  }
0xa0: {  	[tilespmem:s0], [sflag:$0x1] =	stream.linear.gather [hbm4b:s17+s11], $0x80, $0x38;
	[tilespmem:$0x10200] =	vst v63  }
0xa1: {  	s0 =	sadd.s32 $0x4980, s12;
	s12 =	sadd.s32 s3, s16  }
0xa2: {  	[tilespmem:s0], [sflag:$0x1] =	stream.linear.gather [hbm4b:s12+s11], $0x80, $0x38;
	[tilespmem:$0x10200] =	vst v63  }
0xa3: {  	v0 =	vld [tilespmem:s13+$0x0];
	_ =	sdelay $0x4  }
0xa4: {  	v0 =	vshll.u32 v0, $0x4  }
0xa5: {  	(v2sf) =	vpush v0, $0x0  }
0xa6: {  	(v2sf) =	vpush v0, $0x1  }
0xa7: {  	(v2sf) =	vpush v0, $0x2;
	_ =	sdelay $0x1  }
0xa8: {  	(v2sf) =	vpush v0, $0x4  }
.Ltmp1:
0xa9: {  	(pc) =	sbr.rel @p0 .LBB2_4-.Ltmp1, $3  }
0xaa: {  	(v2sf) =	vpush v0, $0x3  }
0xab: {  	(v2sf) =	vpush v0, $0x5;
	_ =	sdelay $0x1  }
0xac: {  	s12 =	sshra.s32 s15, $0x2;
	(v2sf) =	vpush v0, $0x6  }
0xad: {  	_ =	sdelay $0x1  }
0xae: {  	s0 =	sadd.s32 $0x4280, s12;
	s15 =	sadd.s32 $0x4780, s12  }
0xaf: {  	s16 =	sadd.s32 $0x4580, s12;
	s13 =	sadd.s32 $0x4800, s12;
	(v2sf) =	vpush v0, $0x7;
	s17 =	sadd.s32 $0x4480, s12  }
0xb0: {  	s18 =	sadd.s32 $0x4600, s12;
	s14 =	sadd.s32 $0x4880, s12;
	s19 =	sadd.s32 $0x4200, s12  }
0xb1: {  	s20 =	sadd.s32 $0x4400, s12;
	s21 =	sadd.s32 $0x4500, s12;
	(v2sf) =	vpush v0, $0x8;
	s22 =	spop (v2sf)  }
0xb2: {  	s23 =	sadd.s32 $0x4300, s12;
	s22 =	sand.u32 $0x1FFFFFF0, s22;
	s24 =	spop (v2sf)  }
0xb3: {  	(v2sf) =	vpush v0, $0x9;
	s22 =	sadd.s32 s3, s22;
	s24 =	sand.u32 $0x1FFFFFF0, s24;
	s25 =	spop (v2sf)  }
0xb4: {  	[tilespmem:s19], [sflag:$0x1] =	stream.linear.gather [hbm4b:s22+s11], $0x80, $0x38;
	[tilespmem:$0x10200] =	vst v63  }
0xb5: {  	(v2sf) =	vpush v0, $0xA;
	s26 =	sadd.s32 s3, s24;
	s29 =	sand.u32 $0x1FFFFFF0, s25;
	s28 =	spop (v2sf)  }
0xb6: {  	[tilespmem:s0], [sflag:$0x1] =	stream.linear.gather [hbm4b:s26+s11], $0x80, $0x38;
	[tilespmem:$0x10200] =	vst v63  }
0xb7: {  	s19 =	sadd.s32 $0x4700, s12;
	(v2sf) =	vpush v0, $0xB;
	s22 =	sadd.s32 s3, s29;
	s30 =	spop (v2sf)  }
0xb8: {  	s0 =	sadd.s32 $0x4680, s12;
	s26 =	sadd.s32 $0x4380, s12;
	s25 =	sand.u32 $0x1FFFFFF0, s30  }
0xb9: {  	(v2sf) =	vpush v0, $0xC;
	[tilespmem:s23], [sflag:$0x1] =	stream.linear.gather [hbm4b:s22+s11], $0x80, $0x38;
	[tilespmem:$0x10200] =	vst v63  }
0xba: {  	s31 =	sand.u32 $0x1FFFFFF0, s28;
	s28 =	spop (v2sf);
	s29 =	sadd.s32 s3, s25  }
0xbb: {  	(v2sf) =	vpush v0, $0xD;
	[tilespmem:s26], [sflag:$0x1] =	stream.linear.gather [hbm4b:s29+s11], $0x80, $0x38;
	[tilespmem:$0x10200] =	vst v63  }
0xbc: {  	s22 =	sadd.s32 s3, s31;
	s23 =	sand.u32 $0x1FFFFFF0, s28;
	s30 =	spop (v2sf)  }
0xbd: {  	(v2sf) =	vpush v0, $0xE;
	[tilespmem:s20], [sflag:$0x1] =	stream.linear.gather [hbm4b:s22+s11], $0x80, $0x38;
	[tilespmem:$0x10200] =	vst v63  }
0xbe: {  	s23 =	sadd.s32 s3, s23;
	s31 =	sand.u32 $0x1FFFFFF0, s30;
	s24 =	spop (v2sf)  }
0xbf: {  	(v2sf) =	vpush v0, $0xF;
	[tilespmem:s17], [sflag:$0x1] =	stream.linear.gather [hbm4b:s23+s11], $0x80, $0x38;
	[tilespmem:$0x10200] =	vst v63  }
0xc0: {  	s25 =	sand.u32 $0x1FFFFFF0, s24;
	s26 =	spop (v2sf);
	s20 =	sadd.s32 s3, s31  }
0xc1: {  	[tilespmem:s21], [sflag:$0x1] =	stream.linear.gather [hbm4b:s20+s11], $0x80, $0x38;
	[tilespmem:$0x10200] =	vst v63  }
0xc2: {  	s28 =	sand.u32 $0x1FFFFFF0, s26;
	s17 =	sadd.s32 s3, s25;
	s29 =	spop (v2sf)  }
0xc3: {  	[tilespmem:s16], [sflag:$0x1] =	stream.linear.gather [hbm4b:s17+s11], $0x80, $0x38;
	[tilespmem:$0x10200] =	vst v63  }
0xc4: {  	s20 =	sadd.s32 s3, s28;
	s30 =	sand.u32 $0x1FFFFFF0, s29;
	s31 =	spop (v2sf)  }
0xc5: {  	[tilespmem:s18], [sflag:$0x1] =	stream.linear.gather [hbm4b:s20+s11], $0x80, $0x38;
	[tilespmem:$0x10200] =	vst v63  }
0xc6: {  	s17 =	sand.u32 $0x1FFFFFF0, s31;
	s16 =	sadd.s32 s3, s30;
	s20 =	spop (v2sf)  }
0xc7: {  	[tilespmem:s0], [sflag:$0x1] =	stream.linear.gather [hbm4b:s16+s11], $0x80, $0x38;
	[tilespmem:$0x10200] =	vst v63  }
0xc8: {  	s17 =	sadd.s32 s3, s17;
	s21 =	sand.u32 $0x1FFFFFF0, s20;
	s22 =	spop (v2sf)  }
0xc9: {  	[tilespmem:s19], [sflag:$0x1] =	stream.linear.gather [hbm4b:s17+s11], $0x80, $0x38;
	[tilespmem:$0x10200] =	vst v63  }
0xca: {  	s0 =	sadd.s32 s3, s21;
	s16 =	sand.u32 $0x1FFFFFF0, s22;
	s23 =	spop (v2sf)  }
0xcb: {  	[tilespmem:s15], [sflag:$0x1] =	stream.linear.gather [hbm4b:s0+s11], $0x80, $0x38;
	[tilespmem:$0x10200] =	vst v63  }
0xcc: {  	s24 =	sand.u32 $0x1FFFFFF0, s23;
	s16 =	sadd.s32 s3, s16;
	s25 =	spop (v2sf)  }
0xcd: {  	[tilespmem:s13], [sflag:$0x1] =	stream.linear.gather [hbm4b:s16+s11], $0x80, $0x38;
	[tilespmem:$0x10200] =	vst v63  }
0xce: {  	s26 =	sand.u32 $0x1FFFFFF0, s25;
	s28 =	spop (v2sf);
	s0 =	sadd.s32 s3, s24  }
0xcf: {  	[tilespmem:s14], [sflag:$0x1] =	stream.linear.gather [hbm4b:s0+s11], $0x80, $0x38;
	[tilespmem:$0x10200] =	vst v63  }
0xd0: {  	s30 =	sadd.s32 $0x4900, s12;
	s29 =	sand.u32 $0x1FFFFFF0, s28;
	s13 =	sadd.s32 s3, s26  }
0xd1: {  	[tilespmem:s30], [sflag:$0x1] =	stream.linear.gather [hbm4b:s13+s11], $0x80, $0x38;
	[tilespmem:$0x10200] =	vst v63  }
0xd2: {  	s31 =	sadd.s32 $0x4980, s12;
	s0 =	sadd.s32 s3, s29;
	s13 =	simm.s32 $0x100  }
0xd3: {  	[tilespmem:s31], [sflag:$0x1] =	stream.linear.gather [hbm4b:s0+s11], $0x80, $0x38;
	[tilespmem:$0x10200] =	vst v63  }
0xd4: {  	v0 =	vld [tilespmem:s13+$0x0];
	_ =	sdelay $0x4  }
0xd5: {  	v0 =	vshll.u32 v0, $0x4  }
0xd6: {  	(v2sf) =	vpush v0, $0x0  }
0xd7: {  	(v2sf) =	vpush v0, $0x1  }
0xd8: {  	(v2sf) =	vpush v0, $0x2;
	_ =	sdelay $0x1  }
0xd9: {  	(v2sf) =	vpush v0, $0x4;
	_ =	sdelay $0x1  }
0xda: {  	(v2sf) =	vpush v0, $0x3  }
0xdb: {  	(v2sf) =	vpush v0, $0x5  }
0xdc: {  	s12 =	simm.s32 $0x0;
	s14 =	simm.s32 $0x2000;
	(v2sf) =	vpush v0, $0x6  }
.LBB2_6:
0xdd: {  	p0 =	sne.s32 s14, $0xE000  }
0xde: {  	s0 =	sadd.s32 $0x8280, s12;
	s18 =	sadd.s32 $0x8780, s12;
	s15 =	smov.u32 s14  }
0xdf: {  	s14 =	sadd.s32 $0x2000, s14;
	s21 =	sadd.s32 $0x8580, s12;
	s16 =	sadd.s32 $0x8800, s12;
	(v2sf) =	vpush v0, $0x7  }
0xe0: {  	s23 =	sadd.s32 $0x8480, s12;
	s19 =	sadd.s32 $0x8600, s12;
	s17 =	sadd.s32 $0x8880, s12  }
0xe1: {  	s24 =	sadd.s32 $0x8200, s12;
	s25 =	sadd.s32 $0x8400, s12;
	(v2sf) =	vpush v0, $0x8  }
0xe2: {  	s11 =	simm.s32 $0x0;
	s26 =	sadd.s32 $0x8500, s12;
	s13 =	sadd.s32 $0x10, s13  }
0xe3: {  	s28 =	sadd.s32 $0x8300, s12;
	s20 =	sadd.s32 $0x8700, s12;
	s22 =	spop (v2sf);
	(v2sf) =	vpush v0, $0x9  }
0xe4: {  	s29 =	sand.u32 $0x1FFFFFF0, s22;
	s22 =	sadd.s32 $0x8680, s12;
	s30 =	spop (v2sf)  }
0xe5: {  	s29 =	sadd.s32 s3, s29;
	s30 =	sand.u32 $0x1FFFFFF0, s30;
	s31 =	spop (v2sf);
	(v2sf) =	vpush v0, $0xA  }
0xe6: {  	[tilespmem:s24], [sflag:$0x1] =	stream.linear.gather [hbm4b:s29+s11], $0x80, $0x38;
	[tilespmem:$0x10200] =	vst v63  }
0xe7: {  	s24 =	sadd.s32 s3, s30;
	s29 =	sadd.s32 $0x8380, s12;
	s30 =	spop (v2sf);
	(v2sf) =	vpush v0, $0xB  }
0xe8: {  	[tilespmem:s0], [sflag:$0x1] =	stream.linear.gather [hbm4b:s24+s11], $0x80, $0x38;
	[tilespmem:$0x10200] =	vst v63  }
0xe9: {  	s0 =	sand.u32 $0x1FFFFFF0, s31;
	s24 =	sand.u32 $0x1FFFFFF0, s30;
	s30 =	spop (v2sf);
	(v2sf) =	vpush v0, $0xC  }
0xea: {  	s0 =	sadd.s32 s3, s0;
	s30 =	sand.u32 $0x1FFFFFF0, s30;
	s31 =	spop (v2sf)  }
0xeb: {  	[tilespmem:s28], [sflag:$0x1] =	stream.linear.gather [hbm4b:s0+s11], $0x80, $0x38;
	(v2sf) =	vpush v0, $0xD;
	[tilespmem:$0x10200] =	vst v63  }
0xec: {  	s0 =	sadd.s32 s3, s30;
	s28 =	sand.u32 $0x1FFFFFF0, s31;
	s30 =	spop (v2sf)  }
0xed: {  	[tilespmem:s29], [sflag:$0x1] =	stream.linear.gather [hbm4b:s0+s11], $0x80, $0x38;
	(v2sf) =	vpush v0, $0xE;
	[tilespmem:$0x10200] =	vst v63  }
0xee: {  	s0 =	sadd.s32 s3, s24;
	s24 =	sand.u32 $0x1FFFFFF0, s30;
	s29 =	spop (v2sf)  }
0xef: {  	[tilespmem:s25], [sflag:$0x1] =	stream.linear.gather [hbm4b:s0+s11], $0x80, $0x38;
	(v2sf) =	vpush v0, $0xF;
	[tilespmem:$0x10200] =	vst v63  }
0xf0: {  	s0 =	sadd.s32 s3, s28;
	s25 =	sand.u32 $0x1FFFFFF0, s29;
	s28 =	spop (v2sf)  }
0xf1: {  	[tilespmem:s23], [sflag:$0x1] =	stream.linear.gather [hbm4b:s0+s11], $0x80, $0x38;
	[tilespmem:$0x10200] =	vst v63  }
0xf2: {  	s0 =	sadd.s32 s3, s24;
	s23 =	sand.u32 $0x1FFFFFF0, s28;
	s24 =	spop (v2sf)  }
0xf3: {  	[tilespmem:s26], [sflag:$0x1] =	stream.linear.gather [hbm4b:s0+s11], $0x80, $0x38;
	[tilespmem:$0x10200] =	vst v63  }
0xf4: {  	s0 =	sadd.s32 s3, s25;
	s24 =	sand.u32 $0x1FFFFFF0, s24;
	s25 =	spop (v2sf)  }
0xf5: {  	[tilespmem:s21], [sflag:$0x1] =	stream.linear.gather [hbm4b:s0+s11], $0x80, $0x38;
	[tilespmem:$0x10200] =	vst v63  }
0xf6: {  	s0 =	sadd.s32 s3, s23;
	s21 =	sand.u32 $0x1FFFFFF0, s25;
	s23 =	spop (v2sf)  }
0xf7: {  	[tilespmem:s19], [sflag:$0x1] =	stream.linear.gather [hbm4b:s0+s11], $0x80, $0x38;
	[tilespmem:$0x10200] =	vst v63  }
0xf8: {  	s0 =	sadd.s32 s3, s24;
	s19 =	sand.u32 $0x1FFFFFF0, s23;
	s23 =	spop (v2sf)  }
0xf9: {  	[tilespmem:s22], [sflag:$0x1] =	stream.linear.gather [hbm4b:s0+s11], $0x80, $0x38;
	[tilespmem:$0x10200] =	vst v63  }
0xfa: {  	s0 =	sadd.s32 s3, s21;
	s21 =	sand.u32 $0x1FFFFFF0, s23;
	s22 =	spop (v2sf)  }
0xfb: {  	[tilespmem:s20], [sflag:$0x1] =	stream.linear.gather [hbm4b:s0+s11], $0x80, $0x38;
	[tilespmem:$0x10200] =	vst v63  }
0xfc: {  	s0 =	sadd.s32 s3, s19;
	s19 =	sand.u32 $0x1FFFFFF0, s22;
	s20 =	spop (v2sf)  }
0xfd: {  	[tilespmem:s18], [sflag:$0x1] =	stream.linear.gather [hbm4b:s0+s11], $0x80, $0x38;
	[tilespmem:$0x10200] =	vst v63  }
0xfe: {  	s0 =	sadd.s32 s3, s21;
	s18 =	sand.u32 $0x1FFFFFF0, s20;
	s20 =	spop (v2sf)  }
0xff: {  	[tilespmem:s16], [sflag:$0x1] =	stream.linear.gather [hbm4b:s0+s11], $0x80, $0x38;
	[tilespmem:$0x10200] =	vst v63  }
0x100: {  	s0 =	sadd.s32 s3, s19;
	s16 =	sand.u32 $0x1FFFFFF0, s20  }
0x101: {  	[tilespmem:s17], [sflag:$0x1] =	stream.linear.gather [hbm4b:s0+s11], $0x80, $0x38;
	[tilespmem:$0x10200] =	vst v63  }
0x102: {  	s0 =	sadd.s32 $0x8900, s12;
	s17 =	sadd.s32 s3, s18  }
0x103: {  	[tilespmem:s0], [sflag:$0x1] =	stream.linear.gather [hbm4b:s17+s11], $0x80, $0x38;
	[tilespmem:$0x10200] =	vst v63  }
0x104: {  	s0 =	sadd.s32 $0x8980, s12;
	s12 =	sadd.s32 s3, s16  }
0x105: {  	[tilespmem:s0], [sflag:$0x1] =	stream.linear.gather [hbm4b:s12+s11], $0x80, $0x38;
	[tilespmem:$0x10200] =	vst v63  }
0x106: {  	v0 =	vld [tilespmem:s13+$0x0];
	_ =	sdelay $0x4  }
0x107: {  	v0 =	vshll.u32 v0, $0x4  }
0x108: {  	(v2sf) =	vpush v0, $0x0  }
0x109: {  	(v2sf) =	vpush v0, $0x1  }
0x10a: {  	(v2sf) =	vpush v0, $0x2;
	_ =	sdelay $0x1  }
0x10b: {  	(v2sf) =	vpush v0, $0x4  }
.Ltmp2:
0x10c: {  	(pc) =	sbr.rel @p0 .LBB2_6-.Ltmp2, $3  }
0x10d: {  	(v2sf) =	vpush v0, $0x3  }
0x10e: {  	(v2sf) =	vpush v0, $0x5;
	_ =	sdelay $0x1  }
0x10f: {  	s12 =	sshra.s32 s15, $0x2;
	(v2sf) =	vpush v0, $0x6  }
0x110: {  	_ =	sdelay $0x1  }
0x111: {  	s0 =	sadd.s32 $0x8280, s12;
	s15 =	sadd.s32 $0x8780, s12  }
0x112: {  	s16 =	sadd.s32 $0x8580, s12;
	s13 =	sadd.s32 $0x8800, s12;
	(v2sf) =	vpush v0, $0x7;
	s17 =	sadd.s32 $0x8480, s12  }
0x113: {  	s18 =	sadd.s32 $0x8600, s12;
	s14 =	sadd.s32 $0x8880, s12;
	s19 =	sadd.s32 $0x8200, s12  }
0x114: {  	s20 =	sadd.s32 $0x8400, s12;
	s21 =	sadd.s32 $0x8500, s12;
	(v2sf) =	vpush v0, $0x8;
	s22 =	spop (v2sf)  }
0x115: {  	s23 =	sadd.s32 $0x8300, s12;
	s22 =	sand.u32 $0x1FFFFFF0, s22;
	s24 =	spop (v2sf)  }
0x116: {  	(v2sf) =	vpush v0, $0x9;
	s22 =	sadd.s32 s3, s22;
	s24 =	sand.u32 $0x1FFFFFF0, s24;
	s25 =	spop (v2sf)  }
0x117: {  	[tilespmem:s19], [sflag:$0x1] =	stream.linear.gather [hbm4b:s22+s11], $0x80, $0x38;
	[tilespmem:$0x10200] =	vst v63  }
0x118: {  	(v2sf) =	vpush v0, $0xA;
	s26 =	sadd.s32 s3, s24;
	s29 =	sand.u32 $0x1FFFFFF0, s25;
	s28 =	spop (v2sf)  }
0x119: {  	[tilespmem:s0], [sflag:$0x1] =	stream.linear.gather [hbm4b:s26+s11], $0x80, $0x38;
	[tilespmem:$0x10200] =	vst v63  }
0x11a: {  	s19 =	sadd.s32 $0x8700, s12;
	(v2sf) =	vpush v0, $0xB;
	s22 =	sadd.s32 s3, s29;
	s30 =	spop (v2sf)  }
0x11b: {  	s0 =	sadd.s32 $0x8680, s12;
	s26 =	sadd.s32 $0x8380, s12;
	s25 =	sand.u32 $0x1FFFFFF0, s30  }
0x11c: {  	(v2sf) =	vpush v0, $0xC;
	[tilespmem:s23], [sflag:$0x1] =	stream.linear.gather [hbm4b:s22+s11], $0x80, $0x38;
	[tilespmem:$0x10200] =	vst v63  }
0x11d: {  	s31 =	sand.u32 $0x1FFFFFF0, s28;
	s28 =	spop (v2sf);
	s29 =	sadd.s32 s3, s25  }
0x11e: {  	(v2sf) =	vpush v0, $0xD;
	[tilespmem:s26], [sflag:$0x1] =	stream.linear.gather [hbm4b:s29+s11], $0x80, $0x38;
	[tilespmem:$0x10200] =	vst v63  }
0x11f: {  	s22 =	sadd.s32 s3, s31;
	s23 =	sand.u32 $0x1FFFFFF0, s28;
	s30 =	spop (v2sf)  }
0x120: {  	(v2sf) =	vpush v0, $0xE;
	[tilespmem:s20], [sflag:$0x1] =	stream.linear.gather [hbm4b:s22+s11], $0x80, $0x38;
	[tilespmem:$0x10200] =	vst v63  }
0x121: {  	s23 =	sadd.s32 s3, s23;
	s31 =	sand.u32 $0x1FFFFFF0, s30;
	s24 =	spop (v2sf)  }
0x122: {  	(v2sf) =	vpush v0, $0xF;
	[tilespmem:s17], [sflag:$0x1] =	stream.linear.gather [hbm4b:s23+s11], $0x80, $0x38;
	[tilespmem:$0x10200] =	vst v63  }
0x123: {  	s25 =	sand.u32 $0x1FFFFFF0, s24;
	s26 =	spop (v2sf);
	s20 =	sadd.s32 s3, s31  }
0x124: {  	[tilespmem:s21], [sflag:$0x1] =	stream.linear.gather [hbm4b:s20+s11], $0x80, $0x38;
	[tilespmem:$0x10200] =	vst v63  }
0x125: {  	s28 =	sand.u32 $0x1FFFFFF0, s26;
	s17 =	sadd.s32 s3, s25;
	s29 =	spop (v2sf)  }
0x126: {  	[tilespmem:s16], [sflag:$0x1] =	stream.linear.gather [hbm4b:s17+s11], $0x80, $0x38;
	[tilespmem:$0x10200] =	vst v63  }
0x127: {  	s20 =	sadd.s32 s3, s28;
	s30 =	sand.u32 $0x1FFFFFF0, s29;
	s31 =	spop (v2sf)  }
0x128: {  	[tilespmem:s18], [sflag:$0x1] =	stream.linear.gather [hbm4b:s20+s11], $0x80, $0x38;
	[tilespmem:$0x10200] =	vst v63  }
0x129: {  	s17 =	sand.u32 $0x1FFFFFF0, s31;
	s16 =	sadd.s32 s3, s30;
	s20 =	spop (v2sf)  }
0x12a: {  	[tilespmem:s0], [sflag:$0x1] =	stream.linear.gather [hbm4b:s16+s11], $0x80, $0x38;
	[tilespmem:$0x10200] =	vst v63  }
0x12b: {  	s17 =	sadd.s32 s3, s17;
	s21 =	sand.u32 $0x1FFFFFF0, s20;
	s22 =	spop (v2sf)  }
0x12c: {  	[tilespmem:s19], [sflag:$0x1] =	stream.linear.gather [hbm4b:s17+s11], $0x80, $0x38;
	[tilespmem:$0x10200] =	vst v63  }
0x12d: {  	s0 =	sadd.s32 s3, s21;
	s16 =	sand.u32 $0x1FFFFFF0, s22;
	s23 =	spop (v2sf)  }
0x12e: {  	[tilespmem:s15], [sflag:$0x1] =	stream.linear.gather [hbm4b:s0+s11], $0x80, $0x38;
	[tilespmem:$0x10200] =	vst v63  }
0x12f: {  	s24 =	sand.u32 $0x1FFFFFF0, s23;
	s16 =	sadd.s32 s3, s16;
	s25 =	spop (v2sf)  }
0x130: {  	[tilespmem:s13], [sflag:$0x1] =	stream.linear.gather [hbm4b:s16+s11], $0x80, $0x38;
	[tilespmem:$0x10200] =	vst v63  }
0x131: {  	s26 =	sand.u32 $0x1FFFFFF0, s25;
	s28 =	spop (v2sf);
	s0 =	sadd.s32 s3, s24  }
0x132: {  	[tilespmem:s14], [sflag:$0x1] =	stream.linear.gather [hbm4b:s0+s11], $0x80, $0x38;
	[tilespmem:$0x10200] =	vst v63  }
0x133: {  	s30 =	sadd.s32 $0x8900, s12;
	s29 =	sand.u32 $0x1FFFFFF0, s28;
	s13 =	sadd.s32 s3, s26  }
0x134: {  	[tilespmem:s30], [sflag:$0x1] =	stream.linear.gather [hbm4b:s13+s11], $0x80, $0x38;
	[tilespmem:$0x10200] =	vst v63  }
0x135: {  	s31 =	sadd.s32 $0x8980, s12;
	s12 =	simm.s32 $0x180;
	s0 =	sadd.s32 s3, s29  }
0x136: {  	[tilespmem:s31], [sflag:$0x1] =	stream.linear.gather [hbm4b:s0+s11], $0x80, $0x38;
	[tilespmem:$0x10200] =	vst v63  }
0x137: {  	v0 =	vld [tilespmem:s12+$0x0];
	_ =	sdelay $0x4  }
0x138: {  	v0 =	vshll.u32 v0, $0x4  }
0x139: {  	(v2sf) =	vpush v0, $0x0  }
0x13a: {  	(v2sf) =	vpush v0, $0x1  }
0x13b: {  	(v2sf) =	vpush v0, $0x2;
	_ =	sdelay $0x1  }
0x13c: {  	(v2sf) =	vpush v0, $0x4;
	_ =	sdelay $0x1  }
0x13d: {  	(v2sf) =	vpush v0, $0x3  }
0x13e: {  	(v2sf) =	vpush v0, $0x5  }
0x13f: {  	s13 =	simm.s32 $0x2000;
	s11 =	simm.s32 $0x0;
	(v2sf) =	vpush v0, $0x6  }
.LBB2_8:
0x140: {  	p0 =	sne.s32 s13, $0xE000  }
0x141: {  	s0 =	sadd.s32 $0xC280, s11;
	s17 =	sadd.s32 $0xC780, s11;
	s14 =	smov.u32 s13  }
0x142: {  	s13 =	sadd.s32 $0x2000, s13;
	s20 =	sadd.s32 $0xC580, s11;
	s15 =	sadd.s32 $0xC800, s11;
	(v2sf) =	vpush v0, $0x7  }
0x143: {  	s22 =	sadd.s32 $0xC480, s11;
	s19 =	sadd.s32 $0xC600, s11;
	s16 =	sadd.s32 $0xC880, s11  }
0x144: {  	s23 =	sadd.s32 $0xC200, s11;
	s24 =	sadd.s32 $0xC400, s11;
	(v2sf) =	vpush v0, $0x8  }
0x145: {  	s25 =	sadd.s32 $0xC500, s11;
	s12 =	sadd.s32 $0x10, s12  }
0x146: {  	s26 =	sadd.s32 $0xC300, s11;
	s18 =	sadd.s32 $0xC700, s11;
	s21 =	spop (v2sf);
	(v2sf) =	vpush v0, $0x9  }
0x147: {  	s28 =	sand.u32 $0x1FFFFFF0, s21;
	s21 =	sadd.s32 $0xC680, s11;
	s29 =	spop (v2sf)  }
0x148: {  	s28 =	sadd.s32 s3, s28;
	s29 =	sand.u32 $0x1FFFFFF0, s29;
	s30 =	spop (v2sf);
	(v2sf) =	vpush v0, $0xA  }
0x149: {  	[tilespmem:s23], [sflag:$0x1] =	stream.linear.gather [hbm4b:s28+s2], $0x80, $0x38;
	[tilespmem:$0x10200] =	vst v63  }
0x14a: {  	s23 =	sadd.s32 s3, s29;
	s28 =	sadd.s32 $0xC380, s11;
	s29 =	spop (v2sf);
	(v2sf) =	vpush v0, $0xB  }
0x14b: {  	[tilespmem:s0], [sflag:$0x1] =	stream.linear.gather [hbm4b:s23+s2], $0x80, $0x38;
	[tilespmem:$0x10200] =	vst v63  }
0x14c: {  	s0 =	sand.u32 $0x1FFFFFF0, s30;
	s23 =	sand.u32 $0x1FFFFFF0, s29;
	s29 =	spop (v2sf);
	(v2sf) =	vpush v0, $0xC  }
0x14d: {  	s0 =	sadd.s32 s3, s0;
	s29 =	sand.u32 $0x1FFFFFF0, s29;
	s30 =	spop (v2sf)  }
0x14e: {  	[tilespmem:s26], [sflag:$0x1] =	stream.linear.gather [hbm4b:s0+s2], $0x80, $0x38;
	(v2sf) =	vpush v0, $0xD;
	[tilespmem:$0x10200] =	vst v63  }
0x14f: {  	s0 =	sadd.s32 s3, s29;
	s26 =	sand.u32 $0x1FFFFFF0, s30;
	s29 =	spop (v2sf)  }
0x150: {  	[tilespmem:s28], [sflag:$0x1] =	stream.linear.gather [hbm4b:s0+s2], $0x80, $0x38;
	(v2sf) =	vpush v0, $0xE;
	[tilespmem:$0x10200] =	vst v63  }
0x151: {  	s0 =	sadd.s32 s3, s23;
	s23 =	sand.u32 $0x1FFFFFF0, s29;
	s28 =	spop (v2sf)  }
0x152: {  	[tilespmem:s24], [sflag:$0x1] =	stream.linear.gather [hbm4b:s0+s2], $0x80, $0x38;
	(v2sf) =	vpush v0, $0xF;
	[tilespmem:$0x10200] =	vst v63  }
0x153: {  	s0 =	sadd.s32 s3, s26;
	s24 =	sand.u32 $0x1FFFFFF0, s28;
	s26 =	spop (v2sf)  }
0x154: {  	[tilespmem:s22], [sflag:$0x1] =	stream.linear.gather [hbm4b:s0+s2], $0x80, $0x38;
	[tilespmem:$0x10200] =	vst v63  }
0x155: {  	s0 =	sadd.s32 s3, s23;
	s22 =	sand.u32 $0x1FFFFFF0, s26;
	s23 =	spop (v2sf)  }
0x156: {  	[tilespmem:s25], [sflag:$0x1] =	stream.linear.gather [hbm4b:s0+s2], $0x80, $0x38;
	[tilespmem:$0x10200] =	vst v63  }
0x157: {  	s0 =	sadd.s32 s3, s24;
	s23 =	sand.u32 $0x1FFFFFF0, s23;
	s24 =	spop (v2sf)  }
0x158: {  	[tilespmem:s20], [sflag:$0x1] =	stream.linear.gather [hbm4b:s0+s2], $0x80, $0x38;
	[tilespmem:$0x10200] =	vst v63  }
0x159: {  	s0 =	sadd.s32 s3, s22;
	s20 =	sand.u32 $0x1FFFFFF0, s24;
	s22 =	spop (v2sf)  }
0x15a: {  	[tilespmem:s19], [sflag:$0x1] =	stream.linear.gather [hbm4b:s0+s2], $0x80, $0x38;
	[tilespmem:$0x10200] =	vst v63  }
0x15b: {  	s0 =	sadd.s32 s3, s23;
	s19 =	sand.u32 $0x1FFFFFF0, s22;
	s22 =	spop (v2sf)  }
0x15c: {  	[tilespmem:s21], [sflag:$0x1] =	stream.linear.gather [hbm4b:s0+s2], $0x80, $0x38;
	[tilespmem:$0x10200] =	vst v63  }
0x15d: {  	s0 =	sadd.s32 s3, s20;
	s20 =	sand.u32 $0x1FFFFFF0, s22;
	s21 =	spop (v2sf)  }
0x15e: {  	[tilespmem:s18], [sflag:$0x1] =	stream.linear.gather [hbm4b:s0+s2], $0x80, $0x38;
	[tilespmem:$0x10200] =	vst v63  }
0x15f: {  	s0 =	sadd.s32 s3, s19;
	s18 =	sand.u32 $0x1FFFFFF0, s21;
	s19 =	spop (v2sf)  }
0x160: {  	[tilespmem:s17], [sflag:$0x1] =	stream.linear.gather [hbm4b:s0+s2], $0x80, $0x38;
	[tilespmem:$0x10200] =	vst v63  }
0x161: {  	s0 =	sadd.s32 s3, s20;
	s17 =	sand.u32 $0x1FFFFFF0, s19;
	s19 =	spop (v2sf)  }
0x162: {  	[tilespmem:s15], [sflag:$0x1] =	stream.linear.gather [hbm4b:s0+s2], $0x80, $0x38;
	[tilespmem:$0x10200] =	vst v63  }
0x163: {  	s0 =	sadd.s32 s3, s18;
	s15 =	sand.u32 $0x1FFFFFF0, s19  }
0x164: {  	[tilespmem:s16], [sflag:$0x1] =	stream.linear.gather [hbm4b:s0+s2], $0x80, $0x38;
	[tilespmem:$0x10200] =	vst v63  }
0x165: {  	s0 =	sadd.s32 $0xC900, s11;
	s16 =	sadd.s32 s3, s17  }
0x166: {  	[tilespmem:s0], [sflag:$0x1] =	stream.linear.gather [hbm4b:s16+s2], $0x80, $0x38;
	[tilespmem:$0x10200] =	vst v63  }
0x167: {  	s0 =	sadd.s32 $0xC980, s11;
	s11 =	sadd.s32 s3, s15  }
0x168: {  	[tilespmem:s0], [sflag:$0x1] =	stream.linear.gather [hbm4b:s11+s2], $0x80, $0x38;
	[tilespmem:$0x10200] =	vst v63  }
0x169: {  	v0 =	vld [tilespmem:s12+$0x0];
	_ =	sdelay $0x4  }
0x16a: {  	v0 =	vshll.u32 v0, $0x4  }
0x16b: {  	(v2sf) =	vpush v0, $0x0  }
0x16c: {  	(v2sf) =	vpush v0, $0x1  }
0x16d: {  	(v2sf) =	vpush v0, $0x2;
	_ =	sdelay $0x1  }
0x16e: {  	(v2sf) =	vpush v0, $0x4  }
.Ltmp3:
0x16f: {  	(pc) =	sbr.rel @p0 .LBB2_8-.Ltmp3, $3  }
0x170: {  	(v2sf) =	vpush v0, $0x3  }
0x171: {  	(v2sf) =	vpush v0, $0x5;
	_ =	sdelay $0x1  }
0x172: {  	s11 =	sshra.s32 s14, $0x2;
	(v2sf) =	vpush v0, $0x6  }
0x173: {  	_ =	sdelay $0x1  }
0x174: {  	s0 =	sadd.s32 $0xC280, s11;
	s14 =	sadd.s32 $0xC780, s11  }
0x175: {  	s15 =	sadd.s32 $0xC580, s11;
	s12 =	sadd.s32 $0xC800, s11;
	(v2sf) =	vpush v0, $0x7;
	s16 =	sadd.s32 $0xC480, s11  }
0x176: {  	s17 =	sadd.s32 $0xC600, s11;
	s13 =	sadd.s32 $0xC880, s11;
	s18 =	sadd.s32 $0xC200, s11  }
0x177: {  	s19 =	sadd.s32 $0xC400, s11;
	s20 =	sadd.s32 $0xC500, s11;
	(v2sf) =	vpush v0, $0x8;
	s21 =	spop (v2sf)  }
0x178: {  	s22 =	sadd.s32 $0xC300, s11;
	s21 =	sand.u32 $0x1FFFFFF0, s21;
	s23 =	spop (v2sf)  }
0x179: {  	(v2sf) =	vpush v0, $0x9;
	s21 =	sadd.s32 s3, s21;
	s23 =	sand.u32 $0x1FFFFFF0, s23;
	s24 =	spop (v2sf)  }
0x17a: {  	[tilespmem:s18], [sflag:$0x1] =	stream.linear.gather [hbm4b:s21+s2], $0x80, $0x38;
	[tilespmem:$0x10200] =	vst v63  }
0x17b: {  	s25 =	sadd.s32 $0xC380, s11;
	(v2sf) =	vpush v0, $0xA;
	s30 =	sadd.s32 s3, s23;
	s31 =	spop (v2sf)  }
0x17c: {  	[tilespmem:s0], [sflag:$0x1] =	stream.linear.gather [hbm4b:s30+s2], $0x80, $0x38;
	[tilespmem:$0x10200] =	vst v63  }
0x17d: {  	s18 =	sadd.s32 $0xC700, s11;
	s24 =	sand.u32 $0x1FFFFFF0, s24;
	(v2sf) =	vpush v0, $0xB;
	s26 =	spop (v2sf)  }
0x17e: {  	s21 =	sadd.s32 s3, s24;
	s0 =	sadd.s32 $0xC680, s11;
	s24 =	sand.u32 $0x1FFFFFF0, s26  }
0x17f: {  	(v2sf) =	vpush v0, $0xC;
	[tilespmem:s22], [sflag:$0x1] =	stream.linear.gather [hbm4b:s21+s2], $0x80, $0x38;
	[tilespmem:$0x10200] =	vst v63  }
0x180: {  	s28 =	sand.u32 $0x1FFFFFF0, s31;
	s29 =	spop (v2sf);
	s30 =	sadd.s32 s3, s24  }
0x181: {  	(v2sf) =	vpush v0, $0xD;
	[tilespmem:s25], [sflag:$0x1] =	stream.linear.gather [hbm4b:s30+s2], $0x80, $0x38;
	[tilespmem:$0x10200] =	vst v63  }
0x182: {  	s21 =	sadd.s32 s3, s28;
	s22 =	sand.u32 $0x1FFFFFF0, s29;
	s31 =	spop (v2sf)  }
0x183: {  	(v2sf) =	vpush v0, $0xE;
	[tilespmem:s19], [sflag:$0x1] =	stream.linear.gather [hbm4b:s21+s2], $0x80, $0x38;
	[tilespmem:$0x10200] =	vst v63  }
0x184: {  	s22 =	sadd.s32 s3, s22;
	s23 =	sand.u32 $0x1FFFFFF0, s31;
	s24 =	spop (v2sf)  }
0x185: {  	(v2sf) =	vpush v0, $0xF;
	[tilespmem:s16], [sflag:$0x1] =	stream.linear.gather [hbm4b:s22+s2], $0x80, $0x38;
	[tilespmem:$0x10200] =	vst v63  }
0x186: {  	s25 =	sand.u32 $0x1FFFFFF0, s24;
	s26 =	spop (v2sf);
	s19 =	sadd.s32 s3, s23  }
0x187: {  	[tilespmem:s20], [sflag:$0x1] =	stream.linear.gather [hbm4b:s19+s2], $0x80, $0x38;
	[tilespmem:$0x10200] =	vst v63  }
0x188: {  	s28 =	sand.u32 $0x1FFFFFF0, s26;
	s16 =	sadd.s32 s3, s25;
	s29 =	spop (v2sf)  }
0x189: {  	[tilespmem:s15], [sflag:$0x1] =	stream.linear.gather [hbm4b:s16+s2], $0x80, $0x38;
	[tilespmem:$0x10200] =	vst v63  }
0x18a: {  	s19 =	sadd.s32 s3, s28;
	s30 =	sand.u32 $0x1FFFFFF0, s29;
	s31 =	spop (v2sf)  }
0x18b: {  	[tilespmem:s17], [sflag:$0x1] =	stream.linear.gather [hbm4b:s19+s2], $0x80, $0x38;
	[tilespmem:$0x10200] =	vst v63  }
0x18c: {  	s16 =	sand.u32 $0x1FFFFFF0, s31;
	s15 =	sadd.s32 s3, s30;
	s20 =	spop (v2sf)  }
0x18d: {  	[tilespmem:s0], [sflag:$0x1] =	stream.linear.gather [hbm4b:s15+s2], $0x80, $0x38;
	[tilespmem:$0x10200] =	vst v63  }
0x18e: {  	s16 =	sadd.s32 s3, s16;
	s21 =	sand.u32 $0x1FFFFFF0, s20;
	s22 =	spop (v2sf)  }
0x18f: {  	[tilespmem:s18], [sflag:$0x1] =	stream.linear.gather [hbm4b:s16+s2], $0x80, $0x38;
	[tilespmem:$0x10200] =	vst v63  }
0x190: {  	s0 =	sadd.s32 s3, s21;
	s15 =	sand.u32 $0x1FFFFFF0, s22;
	s23 =	spop (v2sf)  }
0x191: {  	[tilespmem:s14], [sflag:$0x1] =	stream.linear.gather [hbm4b:s0+s2], $0x80, $0x38;
	[tilespmem:$0x10200] =	vst v63  }
0x192: {  	s24 =	sand.u32 $0x1FFFFFF0, s23;
	s15 =	sadd.s32 s3, s15;
	s25 =	spop (v2sf)  }
0x193: {  	[tilespmem:s12], [sflag:$0x1] =	stream.linear.gather [hbm4b:s15+s2], $0x80, $0x38;
	[tilespmem:$0x10200] =	vst v63  }
0x194: {  	s26 =	sand.u32 $0x1FFFFFF0, s25;
	s28 =	spop (v2sf);
	s0 =	sadd.s32 s3, s24  }
0x195: {  	[tilespmem:s13], [sflag:$0x1] =	stream.linear.gather [hbm4b:s0+s2], $0x80, $0x38;
	[tilespmem:$0x10200] =	vst v63  }
0x196: {  	s30 =	sadd.s32 $0xC900, s11;
	s29 =	sand.u32 $0x1FFFFFF0, s28;
	s12 =	sadd.s32 s3, s26  }
0x197: {  	[tilespmem:s30], [sflag:$0x1] =	stream.linear.gather [hbm4b:s12+s2], $0x80, $0x38;
	[tilespmem:$0x10200] =	vst v63  }
0x198: {  	s31 =	sadd.s32 $0xC980, s11;
	s0 =	sadd.s32 s3, s29  }
0x199: {  	[tilespmem:s31], [sflag:$0x1] =	stream.linear.gather [hbm4b:s0+s2], $0x80, $0x38;
	[tilespmem:$0x10200] =	vst v63  }
0x19a: {  	s10 =	sadd.s32 $0x1, s10;
	_ =	swait.ge [sflag:s8], $0x10000  }
0x19b: {  	p0 =	sne.s32 s10, s6;
	[sflag:s8] =	ssyncset.done $0x0  }
.Ltmp4:
0x19c: {  	[sflag:s8] =	ssyncadd.s32 $0xFFFF0000;
	(pc) =	sbr.rel @p0 .LBB2_1-.Ltmp4, $4  }
0x19d: {  	[hbm4b:s5+s2] =	stream.linear.scatter [tilespmem:s9], [sflag:$0x2], $0x10000, $0x38;
	[tilespmem:$0x10200] =	vst v63  }
0x19e: {  	_ =	swait.ge [sflag:s7], $0x10000  }
0x19f: {  	[sflag:s7] =	ssyncset.done $0x0  }
0x1a0: {  	[sflag:s7] =	ssyncadd.s32 $0xFFFF0000  }
0x1a1: {  	_ =	sfence.sel $0x180000  }
0x1a2: {  	[bflag:$0x0] =	sbarrier.arrive $0xFFFF  }
0x1a3: {  	_ =	strace $0x90000047  }
0x1a4: {  	[bflag:$0x2] =	sbarrier.arrive $0xFFFF  }
0x1a5: {  	p0 =	sne.s32 s1, $0x0;
	s0 =	rddreg [dreg:$0x2]  }
0x1a6: {  	s0 =	sadd.s32 @!p0 $0x100000, s0  }
0x1a7: {  	[sflag:s0] =	ssyncadd.tile.s32 @!p0 $0x1;
	_ =	shalt  }
.Lfunc_end2:
_tile_overlayer_lowered:
.L_overlay_start_2:
0x1a8: {  	(tag) =	ssettag $0x2  }
0x1a9: {  	s0 =	rddreg [dreg:$0x0];
	s2 =	stileid.u32  }
0x1aa: {  	s1 =	rddreg [dreg:$0x1];
	p0 =	sne.s32 s2, $0x0  }
0x1ab: {  	s3 =	rddreg [dreg:$0x2];
	[bflag:$0x3] =	sbarrier.arrive $0xFFFF;
	s2 =	simm.s32 @!p0 $0x1C02  }
0x1ac: {  	[timem:s3], [sflag:s2] =	dma.local @!p0 [hbm:s0], s1  }
0x1ad: {  	s0 =	simm.s32 @!p0 $0x2  }
0x1ae: {  	_ =	swait.ge @!p0 [sflag:s0], s1  }
0x1af: {  	s1 =	ssub.s32 @!p0 $0x0, s1;
	[sflag:s0] =	ssyncset.done @!p0 $0x0  }
0x1b0: {  	[sflag:s0] =	ssyncadd.s32 @!p0 s1  }
0x1b1: {  	[bflag:$0x3] =	sbarrier.arrive $0xFFFF  }
0x1b2: {  	_ =	shalt  }

</sc_bundles>
